<compile_context>
chip_gen: v7x
topology: tpu7x:2x2x1
jax: 0.10.2.dev20260603
libtpu: 0.0.44.dev20260713+nightly
codegen_flags: <defaults>
</compile_context>

<pallas_src>
import functools

import jax
import jax.numpy as jnp
from jax import lax
from jax.experimental import pallas as pl
from jax.experimental.pallas import tpu as pltpu
from jax.experimental.pallas import tpu_sc as plsc

N_NODES = 10000
N_EDGES = 320000
HID = 128

NC = 2
NS = 16
NW = NC * NS
CHUNK = 128
N_CHUNKS = N_EDGES // CHUNK
CHUNKS_PER_W = N_CHUNKS // NW
CHUNK_REM = N_CHUNKS - CHUNKS_PER_W * NW
N_PAD = 10240
ROWS_PER_TILE = N_PAD // NS
WB = 64
DEG_WB = 128
DEG_W = 16

_f32 = jnp.float32


def _enc_body(x_ref, w1t_ref, b1_ref, wrt_ref, h_ref, hr_ref):
    xb = x_ref[...]
    h = jnp.maximum(
        jnp.dot(xb, w1t_ref[...], preferred_element_type=_f32) + b1_ref[...], 0.0
    )
    h_ref[...] = h
    hr_ref[...] = jnp.dot(h, wrt_ref[...], preferred_element_type=_f32)


def _encode(x, w1t, b1_2d, wrt, blk=1000):
    n = x.shape[0]
    grid = (n // blk,)
    return pl.pallas_call(
        _enc_body,
        grid=grid,
        in_specs=[
            pl.BlockSpec((blk, HID), lambda i: (i, 0)),
            pl.BlockSpec((HID, HID), lambda i: (0, 0)),
            pl.BlockSpec((1, HID), lambda i: (0, 0)),
            pl.BlockSpec((HID, HID), lambda i: (0, 0)),
        ],
        out_specs=[
            pl.BlockSpec((blk, HID), lambda i: (i, 0)),
            pl.BlockSpec((blk, HID), lambda i: (i, 0)),
        ],
        out_shape=[
            jax.ShapeDtypeStruct((n, HID), _f32),
            jax.ShapeDtypeStruct((n, HID), _f32),
        ],
    )(x, w1t, b1_2d, wrt)


def _sc_segment_sum(h, src, dst, zrows, zdeg, ones):
    mesh = plsc.VectorSubcoreMesh(core_axis_name="c", subcore_axis_name="s")

    @functools.partial(
        pl.kernel,
        mesh=mesh,
        out_type=[
            jax.ShapeDtypeStruct((NC, N_PAD, HID), _f32),
            jax.ShapeDtypeStruct((NC, N_PAD, DEG_W), _f32),
        ],
        scratch_types=[
            pltpu.VMEM((CHUNK,), jnp.int32),
            pltpu.VMEM((CHUNK,), jnp.int32),
            pltpu.VMEM((CHUNK, HID), _f32),
            pltpu.VMEM((CHUNK, DEG_W), _f32),
            pltpu.VMEM((WB, HID), _f32),
            pltpu.VMEM((DEG_WB, DEG_W), _f32),
            pltpu.VMEM_SHARED((N_PAD, HID), _f32),
            pltpu.VMEM_SHARED((N_PAD, DEG_W), _f32),
            pltpu.SemaphoreType.DMA,
        ],
        compiler_params=pltpu.CompilerParams(use_tc_tiling_on_sc=False),
    )
    def sc_kernel(
        h_hbm, src_hbm, dst_hbm, zrows_hbm, zdeg_hbm, ones_hbm,
        agg_out, deg_out,
        src_v, dst_v, rows_v, ones_v, bounce_v, degb_v, agg_sh, deg_sh, sem,
    ):
        cid = lax.axis_index("c")
        sid = lax.axis_index("s")
        wid = sid * NC + cid

        base_row = sid * ROWS_PER_TILE
        pltpu.sync_copy(zrows_hbm, bounce_v)
        for k in range(ROWS_PER_TILE // WB):
            pltpu.sync_copy(bounce_v, agg_sh.at[pl.ds(base_row + k * WB, WB)])
        pltpu.sync_copy(zdeg_hbm, degb_v)
        for k in range(ROWS_PER_TILE // DEG_WB):
            pltpu.sync_copy(degb_v, deg_sh.at[pl.ds(base_row + k * DEG_WB, DEG_WB)])
        pltpu.sync_copy(ones_hbm, ones_v)
        plsc.subcore_barrier()

        start = wid * CHUNKS_PER_W + jnp.minimum(wid, CHUNK_REM)
        n_chunks = CHUNKS_PER_W + jnp.where(wid < CHUNK_REM, 1, 0)

        def body(i, carry):
            off = pl.multiple_of((start + i) * CHUNK, CHUNK)
            pltpu.sync_copy(src_hbm.at[pl.ds(off, CHUNK)], src_v)
            pltpu.sync_copy(dst_hbm.at[pl.ds(off, CHUNK)], dst_v)
            pltpu.async_copy(h_hbm.at[src_v], rows_v, sem).wait()
            pltpu.sync_copy(rows_v, agg_sh.at[dst_v], add=True)
            pltpu.sync_copy(ones_v, deg_sh.at[dst_v], add=True)
            return carry

        lax.fori_loop(0, n_chunks, body, 0)
        plsc.subcore_barrier()

        for k in range(ROWS_PER_TILE // WB):
            r0 = base_row + k * WB
            pltpu.sync_copy(agg_sh.at[pl.ds(r0, WB)], bounce_v)
            pltpu.sync_copy(bounce_v, agg_out.at[cid, pl.ds(r0, WB)])
        for k in range(ROWS_PER_TILE // DEG_WB):
            r0 = base_row + k * DEG_WB
            pltpu.sync_copy(deg_sh.at[pl.ds(r0, DEG_WB)], degb_v)
            pltpu.sync_copy(degb_v, deg_out.at[cid, pl.ds(r0, DEG_WB)])

    return sc_kernel(h, src, dst, zrows, zdeg, ones)


def _combine_body(aggp_ref, degp_ref, hr_ref, wlt_ref, bl_ref, out_ref):
    a = aggp_ref[0] + aggp_ref[1]
    d = degp_ref[0, :, 0] + degp_ref[1, :, 0]
    am = a / jnp.maximum(d, 1.0)[:, None]
    out_ref[...] = (
        jnp.dot(am, wlt_ref[...], preferred_element_type=_f32)
        + bl_ref[...]
        + hr_ref[...]
    )


def _combine(aggp, degp, hr, wlt, bl_2d, blk=1000):
    n = hr.shape[0]
    grid = (n // blk,)
    return pl.pallas_call(
        _combine_body,
        grid=grid,
        in_specs=[
            pl.BlockSpec((NC, blk, HID), lambda i: (0, i, 0)),
            pl.BlockSpec((NC, blk, DEG_W), lambda i: (0, i, 0)),
            pl.BlockSpec((blk, HID), lambda i: (i, 0)),
            pl.BlockSpec((HID, HID), lambda i: (0, 0)),
            pl.BlockSpec((1, HID), lambda i: (0, 0)),
        ],
        out_specs=pl.BlockSpec((blk, HID), lambda i: (i, 0)),
        out_shape=jax.ShapeDtypeStruct((n, HID), _f32),
    )(aggp, degp, hr, wlt, bl_2d)


@jax.jit
def kernel(x, edge_index, W1, b1, Wl, bl, Wr):
    ei = edge_index.astype(jnp.int32)
    src = ei[0]
    dst = ei[1]

    h, hr = _encode(x, W1.T, b1.reshape(1, HID), Wr.T)

    zrows = jnp.zeros((WB, HID), _f32)
    zdeg = jnp.zeros((DEG_WB, DEG_W), _f32)
    ones = jnp.ones((CHUNK, DEG_W), _f32)
    aggp, degp = _sc_segment_sum(h, src, dst, zrows, zdeg, ones)

    return _combine(aggp, degp, hr, Wl.T, bl.reshape(1, HID))

# --- scband reference (transcript-rebuilt; emitter-appended) ---
"""Pipeline reference for scband-encoder-new-1176821039652 (READ-ONLY COPY).

The authoritative reference and input builder live on the scoring server;
editing this copy changes nothing except your own understanding.
"""

import jax, jax.numpy as jnp
import numpy as np

N_NODES = 10000
N_EDGES = 320000
X_DIM = 128
HID_DIM = 128

def setup_inputs(seed: int = 0) -> dict:
    key = jax.random.key(seed)
    ks = [jax.random.fold_in(key, i) for i in range(8)]
    x = jax.random.normal(ks[0], (N_NODES, X_DIM), dtype=jnp.float32)
    edge_index = jax.random.randint(ks[1], (2, N_EDGES), 0, N_NODES, dtype=jnp.int64)
    s1 = 1.0 / np.sqrt(X_DIM)
    s2 = 1.0 / np.sqrt(HID_DIM)
    W1 = jax.random.uniform(ks[2], (HID_DIM, X_DIM), minval=-s1, maxval=s1, dtype=jnp.float32)
    b1 = jax.random.uniform(ks[3], (HID_DIM,), minval=-s1, maxval=s1, dtype=jnp.float32)
    Wl = jax.random.uniform(ks[4], (HID_DIM, HID_DIM), minval=-s2, maxval=s2, dtype=jnp.float32)
    bl = jax.random.uniform(ks[5], (HID_DIM,), minval=-s2, maxval=s2, dtype=jnp.float32)
    Wr = jax.random.uniform(ks[6], (HID_DIM, HID_DIM), minval=-s2, maxval=s2, dtype=jnp.float32)
    return {"x": x, "edge_index": edge_index, "W1": W1, "b1": b1, "Wl": Wl, "bl": bl, "Wr": Wr}

def reference(x, edge_index, W1, b1, Wl, bl, Wr):
    # conv1: Linear + ReLU
    h = x @ W1.T + b1
    h = jax.nn.relu(h)
    # SAGEConv with mean aggregation (PyG semantics):
    # out = lin_l(mean_{j in N(i)} h_j) + lin_r(h_i)
    src = edge_index[0]
    dst = edge_index[1]
    msg = jnp.take(h, src, axis=0)                      # gather source node feats [E, H]
    agg = jax.ops.segment_sum(msg, dst, num_segments=N_NODES)
    deg = jax.ops.segment_sum(jnp.ones((N_EDGES,), dtype=h.dtype), dst, num_segments=N_NODES)
    agg = agg / jnp.clip(deg, 1.0, None)[:, None]        # mean aggregation
    out = agg @ Wl.T + bl + h @ Wr.T                     # lin_l (bias) + lin_r (no bias)
    return out

if __name__ == "__main__":
    import jax
    _d = setup_inputs()
    print(jax.jit(kernel)(*tuple(_d.values())))

</pallas_src>

<mosaic_0001>
#map = affine_map<(d0, d1) -> (0, 0)>
#map1 = affine_map<(d0, d1) -> (0)>
#map2 = affine_map<(d0, d1) -> (0, 0, 0)>
module attributes {stable_mosaic.version = 14 : i64} {
  func.func @sc_kernel(%arg0: i32, %arg1: i32, %arg2: memref<10000x128xf32, #tpu.memory_space<hbm>>, %arg3: memref<320000xi32, #tpu.memory_space<hbm>>, %arg4: memref<320000xi32, #tpu.memory_space<hbm>>, %arg5: memref<64x128xf32, #tpu.memory_space<hbm>>, %arg6: memref<128x16xf32, #tpu.memory_space<hbm>>, %arg7: memref<128x16xf32, #tpu.memory_space<hbm>>, %arg8: memref<2x10240x128xf32, #tpu.memory_space<hbm>>, %arg9: memref<2x10240x16xf32, #tpu.memory_space<hbm>>, %arg10: memref<128xi32, #tpu.memory_space<vmem>>, %arg11: memref<128xi32, #tpu.memory_space<vmem>>, %arg12: memref<128x128xf32, #tpu.memory_space<vmem>>, %arg13: memref<128x16xf32, #tpu.memory_space<vmem>>, %arg14: memref<64x128xf32, #tpu.memory_space<vmem>>, %arg15: memref<128x16xf32, #tpu.memory_space<vmem>>, %arg16: memref<10240x128xf32, #tpu.memory_space<vmem_shared>>, %arg17: memref<10240x16xf32, #tpu.memory_space<vmem_shared>>, %arg18: memref<!tpu.dma_semaphore, #tpu.memory_space<semaphore_mem>>) attributes {dimension_semantics = [#tpu.dimension_semantics<core_parallel>, #tpu.dimension_semantics<subcore_parallel>], iteration_bounds = array<i64: 2, 16>, scalar_prefetch = 0 : i64, scratch_operands = 9 : i64, tpu.core_type = #tpu.core_type<sc_vector_subcore>, window_params = [{transform_indices = #map}, {transform_indices = #map1}, {transform_indices = #map1}, {transform_indices = #map}, {transform_indices = #map}, {transform_indices = #map}, {transform_indices = #map2}, {transform_indices = #map2}]} {
    %mul3A = arith.constant 2 : i32
    %mul3A_0 = arith.muli %arg1, %mul3A : i32
    %add3A = arith.addi %mul3A_0, %arg0 : i32
    %mul3A_1 = arith.constant 640 : i32
    %mul3A_2 = arith.muli %arg1, %mul3A_1 : i32
    "tpu.region"() ({
      %run_scoped3A = tpu.sem_alloc : memref<!tpu.dma_semaphore, #tpu.memory_space<semaphore_mem>>
      tpu.enqueue_dma source(%arg5 : memref<64x128xf32, #tpu.memory_space<hbm>>) target(%arg14 : memref<64x128xf32, #tpu.memory_space<vmem>>) target_semaphore(%run_scoped3A : memref<!tpu.dma_semaphore, #tpu.memory_space<semaphore_mem>>)
      tpu.wait_dma2 semaphore(%run_scoped3A : memref<!tpu.dma_semaphore, #tpu.memory_space<semaphore_mem>>) src(%arg5 : memref<64x128xf32, #tpu.memory_space<hbm>>) dst(%arg14 : memref<64x128xf32, #tpu.memory_space<vmem>>)
      tpu.yield
    }) : () -> ()
    %add3A_3 = arith.constant 0 : i32
    %add3A_4 = arith.addi %mul3A_2, %add3A_3 : i32
    "tpu.region"() ({
      %run_scoped3A = tpu.sem_alloc : memref<!tpu.dma_semaphore, #tpu.memory_space<semaphore_mem>>
      %dma_start3A = arith.constant 0 : i32
      %dma_start3A_81 = tpu.memref_slice %arg16[%add3A_4, %dma_start3A] : memref<10240x128xf32, #tpu.memory_space<vmem_shared>> -> memref<64x128xf32, #tpu.memory_space<vmem_shared>>
      %dma_start3A_82 = arith.constant 0 : i32
      %dma_start3A_83 = tpu.memref_slice %arg16[%add3A_4, %dma_start3A_82] : memref<10240x128xf32, #tpu.memory_space<vmem_shared>> -> memref<64x128xf32, #tpu.memory_space<vmem_shared>>
      tpu.enqueue_dma source(%arg14 : memref<64x128xf32, #tpu.memory_space<vmem>>) target(%dma_start3A_83 : memref<64x128xf32, #tpu.memory_space<vmem_shared>>) target_semaphore(%run_scoped3A : memref<!tpu.dma_semaphore, #tpu.memory_space<semaphore_mem>>)
      %dma_wait3A = arith.constant 0 : i32
      %dma_wait3A_84 = tpu.memref_slice %arg16[%add3A_4, %dma_wait3A] : memref<10240x128xf32, #tpu.memory_space<vmem_shared>> -> memref<64x128xf32, #tpu.memory_space<vmem_shared>>
      %dma_wait3A_85 = arith.constant 0 : i32
      %dma_wait3A_86 = tpu.memref_slice %arg16[%add3A_4, %dma_wait3A_85] : memref<10240x128xf32, #tpu.memory_space<vmem_shared>> -> memref<64x128xf32, #tpu.memory_space<vmem_shared>>
      tpu.wait_dma2 semaphore(%run_scoped3A : memref<!tpu.dma_semaphore, #tpu.memory_space<semaphore_mem>>) src(%arg14 : memref<64x128xf32, #tpu.memory_space<vmem>>) dst(%dma_wait3A_86 : memref<64x128xf32, #tpu.memory_space<vmem_shared>>)
      tpu.yield
    }) : () -> ()
    %add3A_5 = arith.constant 64 : i32
    %add3A_6 = arith.addi %mul3A_2, %add3A_5 : i32
    "tpu.region"() ({
      %run_scoped3A = tpu.sem_alloc : memref<!tpu.dma_semaphore, #tpu.memory_space<semaphore_mem>>
      %dma_start3A = arith.constant 0 : i32
      %dma_start3A_81 = tpu.memref_slice %arg16[%add3A_6, %dma_start3A] : memref<10240x128xf32, #tpu.memory_space<vmem_shared>> -> memref<64x128xf32, #tpu.memory_space<vmem_shared>>
      %dma_start3A_82 = arith.constant 0 : i32
      %dma_start3A_83 = tpu.memref_slice %arg16[%add3A_6, %dma_start3A_82] : memref<10240x128xf32, #tpu.memory_space<vmem_shared>> -> memref<64x128xf32, #tpu.memory_space<vmem_shared>>
      tpu.enqueue_dma source(%arg14 : memref<64x128xf32, #tpu.memory_space<vmem>>) target(%dma_start3A_83 : memref<64x128xf32, #tpu.memory_space<vmem_shared>>) target_semaphore(%run_scoped3A : memref<!tpu.dma_semaphore, #tpu.memory_space<semaphore_mem>>)
      %dma_wait3A = arith.constant 0 : i32
      %dma_wait3A_84 = tpu.memref_slice %arg16[%add3A_6, %dma_wait3A] : memref<10240x128xf32, #tpu.memory_space<vmem_shared>> -> memref<64x128xf32, #tpu.memory_space<vmem_shared>>
      %dma_wait3A_85 = arith.constant 0 : i32
      %dma_wait3A_86 = tpu.memref_slice %arg16[%add3A_6, %dma_wait3A_85] : memref<10240x128xf32, #tpu.memory_space<vmem_shared>> -> memref<64x128xf32, #tpu.memory_space<vmem_shared>>
      tpu.wait_dma2 semaphore(%run_scoped3A : memref<!tpu.dma_semaphore, #tpu.memory_space<semaphore_mem>>) src(%arg14 : memref<64x128xf32, #tpu.memory_space<vmem>>) dst(%dma_wait3A_86 : memref<64x128xf32, #tpu.memory_space<vmem_shared>>)
      tpu.yield
    }) : () -> ()
    %add3A_7 = arith.constant 128 : i32
    %add3A_8 = arith.addi %mul3A_2, %add3A_7 : i32
    "tpu.region"() ({
      %run_scoped3A = tpu.sem_alloc : memref<!tpu.dma_semaphore, #tpu.memory_space<semaphore_mem>>
      %dma_start3A = arith.constant 0 : i32
      %dma_start3A_81 = tpu.memref_slice %arg16[%add3A_8, %dma_start3A] : memref<10240x128xf32, #tpu.memory_space<vmem_shared>> -> memref<64x128xf32, #tpu.memory_space<vmem_shared>>
      %dma_start3A_82 = arith.constant 0 : i32
      %dma_start3A_83 = tpu.memref_slice %arg16[%add3A_8, %dma_start3A_82] : memref<10240x128xf32, #tpu.memory_space<vmem_shared>> -> memref<64x128xf32, #tpu.memory_space<vmem_shared>>
      tpu.enqueue_dma source(%arg14 : memref<64x128xf32, #tpu.memory_space<vmem>>) target(%dma_start3A_83 : memref<64x128xf32, #tpu.memory_space<vmem_shared>>) target_semaphore(%run_scoped3A : memref<!tpu.dma_semaphore, #tpu.memory_space<semaphore_mem>>)
      %dma_wait3A = arith.constant 0 : i32
      %dma_wait3A_84 = tpu.memref_slice %arg16[%add3A_8, %dma_wait3A] : memref<10240x128xf32, #tpu.memory_space<vmem_shared>> -> memref<64x128xf32, #tpu.memory_space<vmem_shared>>
      %dma_wait3A_85 = arith.constant 0 : i32
      %dma_wait3A_86 = tpu.memref_slice %arg16[%add3A_8, %dma_wait3A_85] : memref<10240x128xf32, #tpu.memory_space<vmem_shared>> -> memref<64x128xf32, #tpu.memory_space<vmem_shared>>
      tpu.wait_dma2 semaphore(%run_scoped3A : memref<!tpu.dma_semaphore, #tpu.memory_space<semaphore_mem>>) src(%arg14 : memref<64x128xf32, #tpu.memory_space<vmem>>) dst(%dma_wait3A_86 : memref<64x128xf32, #tpu.memory_space<vmem_shared>>)
      tpu.yield
    }) : () -> ()
    %add3A_9 = arith.constant 192 : i32
    %add3A_10 = arith.addi %mul3A_2, %add3A_9 : i32
    "tpu.region"() ({
      %run_scoped3A = tpu.sem_alloc : memref<!tpu.dma_semaphore, #tpu.memory_space<semaphore_mem>>
      %dma_start3A = arith.constant 0 : i32
      %dma_start3A_81 = tpu.memref_slice %arg16[%add3A_10, %dma_start3A] : memref<10240x128xf32, #tpu.memory_space<vmem_shared>> -> memref<64x128xf32, #tpu.memory_space<vmem_shared>>
      %dma_start3A_82 = arith.constant 0 : i32
      %dma_start3A_83 = tpu.memref_slice %arg16[%add3A_10, %dma_start3A_82] : memref<10240x128xf32, #tpu.memory_space<vmem_shared>> -> memref<64x128xf32, #tpu.memory_space<vmem_shared>>
      tpu.enqueue_dma source(%arg14 : memref<64x128xf32, #tpu.memory_space<vmem>>) target(%dma_start3A_83 : memref<64x128xf32, #tpu.memory_space<vmem_shared>>) target_semaphore(%run_scoped3A : memref<!tpu.dma_semaphore, #tpu.memory_space<semaphore_mem>>)
      %dma_wait3A = arith.constant 0 : i32
      %dma_wait3A_84 = tpu.memref_slice %arg16[%add3A_10, %dma_wait3A] : memref<10240x128xf32, #tpu.memory_space<vmem_shared>> -> memref<64x128xf32, #tpu.memory_space<vmem_shared>>
      %dma_wait3A_85 = arith.constant 0 : i32
      %dma_wait3A_86 = tpu.memref_slice %arg16[%add3A_10, %dma_wait3A_85] : memref<10240x128xf32, #tpu.memory_space<vmem_shared>> -> memref<64x128xf32, #tpu.memory_space<vmem_shared>>
      tpu.wait_dma2 semaphore(%run_scoped3A : memref<!tpu.dma_semaphore, #tpu.memory_space<semaphore_mem>>) src(%arg14 : memref<64x128xf32, #tpu.memory_space<vmem>>) dst(%dma_wait3A_86 : memref<64x128xf32, #tpu.memory_space<vmem_shared>>)
      tpu.yield
    }) : () -> ()
    %add3A_11 = arith.constant 256 : i32
    %add3A_12 = arith.addi %mul3A_2, %add3A_11 : i32
    "tpu.region"() ({
      %run_scoped3A = tpu.sem_alloc : memref<!tpu.dma_semaphore, #tpu.memory_space<semaphore_mem>>
      %dma_start3A = arith.constant 0 : i32
      %dma_start3A_81 = tpu.memref_slice %arg16[%add3A_12, %dma_start3A] : memref<10240x128xf32, #tpu.memory_space<vmem_shared>> -> memref<64x128xf32, #tpu.memory_space<vmem_shared>>
      %dma_start3A_82 = arith.constant 0 : i32
      %dma_start3A_83 = tpu.memref_slice %arg16[%add3A_12, %dma_start3A_82] : memref<10240x128xf32, #tpu.memory_space<vmem_shared>> -> memref<64x128xf32, #tpu.memory_space<vmem_shared>>
      tpu.enqueue_dma source(%arg14 : memref<64x128xf32, #tpu.memory_space<vmem>>) target(%dma_start3A_83 : memref<64x128xf32, #tpu.memory_space<vmem_shared>>) target_semaphore(%run_scoped3A : memref<!tpu.dma_semaphore, #tpu.memory_space<semaphore_mem>>)
      %dma_wait3A = arith.constant 0 : i32
      %dma_wait3A_84 = tpu.memref_slice %arg16[%add3A_12, %dma_wait3A] : memref<10240x128xf32, #tpu.memory_space<vmem_shared>> -> memref<64x128xf32, #tpu.memory_space<vmem_shared>>
      %dma_wait3A_85 = arith.constant 0 : i32
      %dma_wait3A_86 = tpu.memref_slice %arg16[%add3A_12, %dma_wait3A_85] : memref<10240x128xf32, #tpu.memory_space<vmem_shared>> -> memref<64x128xf32, #tpu.memory_space<vmem_shared>>
      tpu.wait_dma2 semaphore(%run_scoped3A : memref<!tpu.dma_semaphore, #tpu.memory_space<semaphore_mem>>) src(%arg14 : memref<64x128xf32, #tpu.memory_space<vmem>>) dst(%dma_wait3A_86 : memref<64x128xf32, #tpu.memory_space<vmem_shared>>)
      tpu.yield
    }) : () -> ()
    %add3A_13 = arith.constant 320 : i32
    %add3A_14 = arith.addi %mul3A_2, %add3A_13 : i32
    "tpu.region"() ({
      %run_scoped3A = tpu.sem_alloc : memref<!tpu.dma_semaphore, #tpu.memory_space<semaphore_mem>>
      %dma_start3A = arith.constant 0 : i32
      %dma_start3A_81 = tpu.memref_slice %arg16[%add3A_14, %dma_start3A] : memref<10240x128xf32, #tpu.memory_space<vmem_shared>> -> memref<64x128xf32, #tpu.memory_space<vmem_shared>>
      %dma_start3A_82 = arith.constant 0 : i32
      %dma_start3A_83 = tpu.memref_slice %arg16[%add3A_14, %dma_start3A_82] : memref<10240x128xf32, #tpu.memory_space<vmem_shared>> -> memref<64x128xf32, #tpu.memory_space<vmem_shared>>
      tpu.enqueue_dma source(%arg14 : memref<64x128xf32, #tpu.memory_space<vmem>>) target(%dma_start3A_83 : memref<64x128xf32, #tpu.memory_space<vmem_shared>>) target_semaphore(%run_scoped3A : memref<!tpu.dma_semaphore, #tpu.memory_space<semaphore_mem>>)
      %dma_wait3A = arith.constant 0 : i32
      %dma_wait3A_84 = tpu.memref_slice %arg16[%add3A_14, %dma_wait3A] : memref<10240x128xf32, #tpu.memory_space<vmem_shared>> -> memref<64x128xf32, #tpu.memory_space<vmem_shared>>
      %dma_wait3A_85 = arith.constant 0 : i32
      %dma_wait3A_86 = tpu.memref_slice %arg16[%add3A_14, %dma_wait3A_85] : memref<10240x128xf32, #tpu.memory_space<vmem_shared>> -> memref<64x128xf32, #tpu.memory_space<vmem_shared>>
      tpu.wait_dma2 semaphore(%run_scoped3A : memref<!tpu.dma_semaphore, #tpu.memory_space<semaphore_mem>>) src(%arg14 : memref<64x128xf32, #tpu.memory_space<vmem>>) dst(%dma_wait3A_86 : memref<64x128xf32, #tpu.memory_space<vmem_shared>>)
      tpu.yield
    }) : () -> ()
    %add3A_15 = arith.constant 384 : i32
    %add3A_16 = arith.addi %mul3A_2, %add3A_15 : i32
    "tpu.region"() ({
      %run_scoped3A = tpu.sem_alloc : memref<!tpu.dma_semaphore, #tpu.memory_space<semaphore_mem>>
      %dma_start3A = arith.constant 0 : i32
      %dma_start3A_81 = tpu.memref_slice %arg16[%add3A_16, %dma_start3A] : memref<10240x128xf32, #tpu.memory_space<vmem_shared>> -> memref<64x128xf32, #tpu.memory_space<vmem_shared>>
      %dma_start3A_82 = arith.constant 0 : i32
      %dma_start3A_83 = tpu.memref_slice %arg16[%add3A_16, %dma_start3A_82] : memref<10240x128xf32, #tpu.memory_space<vmem_shared>> -> memref<64x128xf32, #tpu.memory_space<vmem_shared>>
      tpu.enqueue_dma source(%arg14 : memref<64x128xf32, #tpu.memory_space<vmem>>) target(%dma_start3A_83 : memref<64x128xf32, #tpu.memory_space<vmem_shared>>) target_semaphore(%run_scoped3A : memref<!tpu.dma_semaphore, #tpu.memory_space<semaphore_mem>>)
      %dma_wait3A = arith.constant 0 : i32
      %dma_wait3A_84 = tpu.memref_slice %arg16[%add3A_16, %dma_wait3A] : memref<10240x128xf32, #tpu.memory_space<vmem_shared>> -> memref<64x128xf32, #tpu.memory_space<vmem_shared>>
      %dma_wait3A_85 = arith.constant 0 : i32
      %dma_wait3A_86 = tpu.memref_slice %arg16[%add3A_16, %dma_wait3A_85] : memref<10240x128xf32, #tpu.memory_space<vmem_shared>> -> memref<64x128xf32, #tpu.memory_space<vmem_shared>>
      tpu.wait_dma2 semaphore(%run_scoped3A : memref<!tpu.dma_semaphore, #tpu.memory_space<semaphore_mem>>) src(%arg14 : memref<64x128xf32, #tpu.memory_space<vmem>>) dst(%dma_wait3A_86 : memref<64x128xf32, #tpu.memory_space<vmem_shared>>)
      tpu.yield
    }) : () -> ()
    %add3A_17 = arith.constant 448 : i32
    %add3A_18 = arith.addi %mul3A_2, %add3A_17 : i32
    "tpu.region"() ({
      %run_scoped3A = tpu.sem_alloc : memref<!tpu.dma_semaphore, #tpu.memory_space<semaphore_mem>>
      %dma_start3A = arith.constant 0 : i32
      %dma_start3A_81 = tpu.memref_slice %arg16[%add3A_18, %dma_start3A] : memref<10240x128xf32, #tpu.memory_space<vmem_shared>> -> memref<64x128xf32, #tpu.memory_space<vmem_shared>>
      %dma_start3A_82 = arith.constant 0 : i32
      %dma_start3A_83 = tpu.memref_slice %arg16[%add3A_18, %dma_start3A_82] : memref<10240x128xf32, #tpu.memory_space<vmem_shared>> -> memref<64x128xf32, #tpu.memory_space<vmem_shared>>
      tpu.enqueue_dma source(%arg14 : memref<64x128xf32, #tpu.memory_space<vmem>>) target(%dma_start3A_83 : memref<64x128xf32, #tpu.memory_space<vmem_shared>>) target_semaphore(%run_scoped3A : memref<!tpu.dma_semaphore, #tpu.memory_space<semaphore_mem>>)
      %dma_wait3A = arith.constant 0 : i32
      %dma_wait3A_84 = tpu.memref_slice %arg16[%add3A_18, %dma_wait3A] : memref<10240x128xf32, #tpu.memory_space<vmem_shared>> -> memref<64x128xf32, #tpu.memory_space<vmem_shared>>
      %dma_wait3A_85 = arith.constant 0 : i32
      %dma_wait3A_86 = tpu.memref_slice %arg16[%add3A_18, %dma_wait3A_85] : memref<10240x128xf32, #tpu.memory_space<vmem_shared>> -> memref<64x128xf32, #tpu.memory_space<vmem_shared>>
      tpu.wait_dma2 semaphore(%run_scoped3A : memref<!tpu.dma_semaphore, #tpu.memory_space<semaphore_mem>>) src(%arg14 : memref<64x128xf32, #tpu.memory_space<vmem>>) dst(%dma_wait3A_86 : memref<64x128xf32, #tpu.memory_space<vmem_shared>>)
      tpu.yield
    }) : () -> ()
    %add3A_19 = arith.constant 512 : i32
    %add3A_20 = arith.addi %mul3A_2, %add3A_19 : i32
    "tpu.region"() ({
      %run_scoped3A = tpu.sem_alloc : memref<!tpu.dma_semaphore, #tpu.memory_space<semaphore_mem>>
      %dma_start3A = arith.constant 0 : i32
      %dma_start3A_81 = tpu.memref_slice %arg16[%add3A_20, %dma_start3A] : memref<10240x128xf32, #tpu.memory_space<vmem_shared>> -> memref<64x128xf32, #tpu.memory_space<vmem_shared>>
      %dma_start3A_82 = arith.constant 0 : i32
      %dma_start3A_83 = tpu.memref_slice %arg16[%add3A_20, %dma_start3A_82] : memref<10240x128xf32, #tpu.memory_space<vmem_shared>> -> memref<64x128xf32, #tpu.memory_space<vmem_shared>>
      tpu.enqueue_dma source(%arg14 : memref<64x128xf32, #tpu.memory_space<vmem>>) target(%dma_start3A_83 : memref<64x128xf32, #tpu.memory_space<vmem_shared>>) target_semaphore(%run_scoped3A : memref<!tpu.dma_semaphore, #tpu.memory_space<semaphore_mem>>)
      %dma_wait3A = arith.constant 0 : i32
      %dma_wait3A_84 = tpu.memref_slice %arg16[%add3A_20, %dma_wait3A] : memref<10240x128xf32, #tpu.memory_space<vmem_shared>> -> memref<64x128xf32, #tpu.memory_space<vmem_shared>>
      %dma_wait3A_85 = arith.constant 0 : i32
      %dma_wait3A_86 = tpu.memref_slice %arg16[%add3A_20, %dma_wait3A_85] : memref<10240x128xf32, #tpu.memory_space<vmem_shared>> -> memref<64x128xf32, #tpu.memory_space<vmem_shared>>
      tpu.wait_dma2 semaphore(%run_scoped3A : memref<!tpu.dma_semaphore, #tpu.memory_space<semaphore_mem>>) src(%arg14 : memref<64x128xf32, #tpu.memory_space<vmem>>) dst(%dma_wait3A_86 : memref<64x128xf32, #tpu.memory_space<vmem_shared>>)
      tpu.yield
    }) : () -> ()
    %add3A_21 = arith.constant 576 : i32
    %add3A_22 = arith.addi %mul3A_2, %add3A_21 : i32
    "tpu.region"() ({
      %run_scoped3A = tpu.sem_alloc : memref<!tpu.dma_semaphore, #tpu.memory_space<semaphore_mem>>
      %dma_start3A = arith.constant 0 : i32
      %dma_start3A_81 = tpu.memref_slice %arg16[%add3A_22, %dma_start3A] : memref<10240x128xf32, #tpu.memory_space<vmem_shared>> -> memref<64x128xf32, #tpu.memory_space<vmem_shared>>
      %dma_start3A_82 = arith.constant 0 : i32
      %dma_start3A_83 = tpu.memref_slice %arg16[%add3A_22, %dma_start3A_82] : memref<10240x128xf32, #tpu.memory_space<vmem_shared>> -> memref<64x128xf32, #tpu.memory_space<vmem_shared>>
      tpu.enqueue_dma source(%arg14 : memref<64x128xf32, #tpu.memory_space<vmem>>) target(%dma_start3A_83 : memref<64x128xf32, #tpu.memory_space<vmem_shared>>) target_semaphore(%run_scoped3A : memref<!tpu.dma_semaphore, #tpu.memory_space<semaphore_mem>>)
      %dma_wait3A = arith.constant 0 : i32
      %dma_wait3A_84 = tpu.memref_slice %arg16[%add3A_22, %dma_wait3A] : memref<10240x128xf32, #tpu.memory_space<vmem_shared>> -> memref<64x128xf32, #tpu.memory_space<vmem_shared>>
      %dma_wait3A_85 = arith.constant 0 : i32
      %dma_wait3A_86 = tpu.memref_slice %arg16[%add3A_22, %dma_wait3A_85] : memref<10240x128xf32, #tpu.memory_space<vmem_shared>> -> memref<64x128xf32, #tpu.memory_space<vmem_shared>>
      tpu.wait_dma2 semaphore(%run_scoped3A : memref<!tpu.dma_semaphore, #tpu.memory_space<semaphore_mem>>) src(%arg14 : memref<64x128xf32, #tpu.memory_space<vmem>>) dst(%dma_wait3A_86 : memref<64x128xf32, #tpu.memory_space<vmem_shared>>)
      tpu.yield
    }) : () -> ()
    "tpu.region"() ({
      %run_scoped3A = tpu.sem_alloc : memref<!tpu.dma_semaphore, #tpu.memory_space<semaphore_mem>>
      tpu.enqueue_dma source(%arg6 : memref<128x16xf32, #tpu.memory_space<hbm>>) target(%arg15 : memref<128x16xf32, #tpu.memory_space<vmem>>) target_semaphore(%run_scoped3A : memref<!tpu.dma_semaphore, #tpu.memory_space<semaphore_mem>>)
      tpu.wait_dma2 semaphore(%run_scoped3A : memref<!tpu.dma_semaphore, #tpu.memory_space<semaphore_mem>>) src(%arg6 : memref<128x16xf32, #tpu.memory_space<hbm>>) dst(%arg15 : memref<128x16xf32, #tpu.memory_space<vmem>>)
      tpu.yield
    }) : () -> ()
    %add3A_23 = arith.constant 0 : i32
    %add3A_24 = arith.addi %mul3A_2, %add3A_23 : i32
    "tpu.region"() ({
      %run_scoped3A = tpu.sem_alloc : memref<!tpu.dma_semaphore, #tpu.memory_space<semaphore_mem>>
      %dma_start3A = arith.constant 0 : i32
      %dma_start3A_81 = tpu.memref_slice %arg17[%add3A_24, %dma_start3A] : memref<10240x16xf32, #tpu.memory_space<vmem_shared>> -> memref<128x16xf32, #tpu.memory_space<vmem_shared>>
      %dma_start3A_82 = arith.constant 0 : i32
      %dma_start3A_83 = tpu.memref_slice %arg17[%add3A_24, %dma_start3A_82] : memref<10240x16xf32, #tpu.memory_space<vmem_shared>> -> memref<128x16xf32, #tpu.memory_space<vmem_shared>>
      tpu.enqueue_dma source(%arg15 : memref<128x16xf32, #tpu.memory_space<vmem>>) target(%dma_start3A_83 : memref<128x16xf32, #tpu.memory_space<vmem_shared>>) target_semaphore(%run_scoped3A : memref<!tpu.dma_semaphore, #tpu.memory_space<semaphore_mem>>)
      %dma_wait3A = arith.constant 0 : i32
      %dma_wait3A_84 = tpu.memref_slice %arg17[%add3A_24, %dma_wait3A] : memref<10240x16xf32, #tpu.memory_space<vmem_shared>> -> memref<128x16xf32, #tpu.memory_space<vmem_shared>>
      %dma_wait3A_85 = arith.constant 0 : i32
      %dma_wait3A_86 = tpu.memref_slice %arg17[%add3A_24, %dma_wait3A_85] : memref<10240x16xf32, #tpu.memory_space<vmem_shared>> -> memref<128x16xf32, #tpu.memory_space<vmem_shared>>
      tpu.wait_dma2 semaphore(%run_scoped3A : memref<!tpu.dma_semaphore, #tpu.memory_space<semaphore_mem>>) src(%arg15 : memref<128x16xf32, #tpu.memory_space<vmem>>) dst(%dma_wait3A_86 : memref<128x16xf32, #tpu.memory_space<vmem_shared>>)
      tpu.yield
    }) : () -> ()
    %add3A_25 = arith.constant 128 : i32
    %add3A_26 = arith.addi %mul3A_2, %add3A_25 : i32
    "tpu.region"() ({
      %run_scoped3A = tpu.sem_alloc : memref<!tpu.dma_semaphore, #tpu.memory_space<semaphore_mem>>
      %dma_start3A = arith.constant 0 : i32
      %dma_start3A_81 = tpu.memref_slice %arg17[%add3A_26, %dma_start3A] : memref<10240x16xf32, #tpu.memory_space<vmem_shared>> -> memref<128x16xf32, #tpu.memory_space<vmem_shared>>
      %dma_start3A_82 = arith.constant 0 : i32
      %dma_start3A_83 = tpu.memref_slice %arg17[%add3A_26, %dma_start3A_82] : memref<10240x16xf32, #tpu.memory_space<vmem_shared>> -> memref<128x16xf32, #tpu.memory_space<vmem_shared>>
      tpu.enqueue_dma source(%arg15 : memref<128x16xf32, #tpu.memory_space<vmem>>) target(%dma_start3A_83 : memref<128x16xf32, #tpu.memory_space<vmem_shared>>) target_semaphore(%run_scoped3A : memref<!tpu.dma_semaphore, #tpu.memory_space<semaphore_mem>>)
      %dma_wait3A = arith.constant 0 : i32
      %dma_wait3A_84 = tpu.memref_slice %arg17[%add3A_26, %dma_wait3A] : memref<10240x16xf32, #tpu.memory_space<vmem_shared>> -> memref<128x16xf32, #tpu.memory_space<vmem_shared>>
      %dma_wait3A_85 = arith.constant 0 : i32
      %dma_wait3A_86 = tpu.memref_slice %arg17[%add3A_26, %dma_wait3A_85] : memref<10240x16xf32, #tpu.memory_space<vmem_shared>> -> memref<128x16xf32, #tpu.memory_space<vmem_shared>>
      tpu.wait_dma2 semaphore(%run_scoped3A : memref<!tpu.dma_semaphore, #tpu.memory_space<semaphore_mem>>) src(%arg15 : memref<128x16xf32, #tpu.memory_space<vmem>>) dst(%dma_wait3A_86 : memref<128x16xf32, #tpu.memory_space<vmem_shared>>)
      tpu.yield
    }) : () -> ()
    %add3A_27 = arith.constant 256 : i32
    %add3A_28 = arith.addi %mul3A_2, %add3A_27 : i32
    "tpu.region"() ({
      %run_scoped3A = tpu.sem_alloc : memref<!tpu.dma_semaphore, #tpu.memory_space<semaphore_mem>>
      %dma_start3A = arith.constant 0 : i32
      %dma_start3A_81 = tpu.memref_slice %arg17[%add3A_28, %dma_start3A] : memref<10240x16xf32, #tpu.memory_space<vmem_shared>> -> memref<128x16xf32, #tpu.memory_space<vmem_shared>>
      %dma_start3A_82 = arith.constant 0 : i32
      %dma_start3A_83 = tpu.memref_slice %arg17[%add3A_28, %dma_start3A_82] : memref<10240x16xf32, #tpu.memory_space<vmem_shared>> -> memref<128x16xf32, #tpu.memory_space<vmem_shared>>
      tpu.enqueue_dma source(%arg15 : memref<128x16xf32, #tpu.memory_space<vmem>>) target(%dma_start3A_83 : memref<128x16xf32, #tpu.memory_space<vmem_shared>>) target_semaphore(%run_scoped3A : memref<!tpu.dma_semaphore, #tpu.memory_space<semaphore_mem>>)
      %dma_wait3A = arith.constant 0 : i32
      %dma_wait3A_84 = tpu.memref_slice %arg17[%add3A_28, %dma_wait3A] : memref<10240x16xf32, #tpu.memory_space<vmem_shared>> -> memref<128x16xf32, #tpu.memory_space<vmem_shared>>
      %dma_wait3A_85 = arith.constant 0 : i32
      %dma_wait3A_86 = tpu.memref_slice %arg17[%add3A_28, %dma_wait3A_85] : memref<10240x16xf32, #tpu.memory_space<vmem_shared>> -> memref<128x16xf32, #tpu.memory_space<vmem_shared>>
      tpu.wait_dma2 semaphore(%run_scoped3A : memref<!tpu.dma_semaphore, #tpu.memory_space<semaphore_mem>>) src(%arg15 : memref<128x16xf32, #tpu.memory_space<vmem>>) dst(%dma_wait3A_86 : memref<128x16xf32, #tpu.memory_space<vmem_shared>>)
      tpu.yield
    }) : () -> ()
    %add3A_29 = arith.constant 384 : i32
    %add3A_30 = arith.addi %mul3A_2, %add3A_29 : i32
    "tpu.region"() ({
      %run_scoped3A = tpu.sem_alloc : memref<!tpu.dma_semaphore, #tpu.memory_space<semaphore_mem>>
      %dma_start3A = arith.constant 0 : i32
      %dma_start3A_81 = tpu.memref_slice %arg17[%add3A_30, %dma_start3A] : memref<10240x16xf32, #tpu.memory_space<vmem_shared>> -> memref<128x16xf32, #tpu.memory_space<vmem_shared>>
      %dma_start3A_82 = arith.constant 0 : i32
      %dma_start3A_83 = tpu.memref_slice %arg17[%add3A_30, %dma_start3A_82] : memref<10240x16xf32, #tpu.memory_space<vmem_shared>> -> memref<128x16xf32, #tpu.memory_space<vmem_shared>>
      tpu.enqueue_dma source(%arg15 : memref<128x16xf32, #tpu.memory_space<vmem>>) target(%dma_start3A_83 : memref<128x16xf32, #tpu.memory_space<vmem_shared>>) target_semaphore(%run_scoped3A : memref<!tpu.dma_semaphore, #tpu.memory_space<semaphore_mem>>)
      %dma_wait3A = arith.constant 0 : i32
      %dma_wait3A_84 = tpu.memref_slice %arg17[%add3A_30, %dma_wait3A] : memref<10240x16xf32, #tpu.memory_space<vmem_shared>> -> memref<128x16xf32, #tpu.memory_space<vmem_shared>>
      %dma_wait3A_85 = arith.constant 0 : i32
      %dma_wait3A_86 = tpu.memref_slice %arg17[%add3A_30, %dma_wait3A_85] : memref<10240x16xf32, #tpu.memory_space<vmem_shared>> -> memref<128x16xf32, #tpu.memory_space<vmem_shared>>
      tpu.wait_dma2 semaphore(%run_scoped3A : memref<!tpu.dma_semaphore, #tpu.memory_space<semaphore_mem>>) src(%arg15 : memref<128x16xf32, #tpu.memory_space<vmem>>) dst(%dma_wait3A_86 : memref<128x16xf32, #tpu.memory_space<vmem_shared>>)
      tpu.yield
    }) : () -> ()
    %add3A_31 = arith.constant 512 : i32
    %add3A_32 = arith.addi %mul3A_2, %add3A_31 : i32
    "tpu.region"() ({
      %run_scoped3A = tpu.sem_alloc : memref<!tpu.dma_semaphore, #tpu.memory_space<semaphore_mem>>
      %dma_start3A = arith.constant 0 : i32
      %dma_start3A_81 = tpu.memref_slice %arg17[%add3A_32, %dma_start3A] : memref<10240x16xf32, #tpu.memory_space<vmem_shared>> -> memref<128x16xf32, #tpu.memory_space<vmem_shared>>
      %dma_start3A_82 = arith.constant 0 : i32
      %dma_start3A_83 = tpu.memref_slice %arg17[%add3A_32, %dma_start3A_82] : memref<10240x16xf32, #tpu.memory_space<vmem_shared>> -> memref<128x16xf32, #tpu.memory_space<vmem_shared>>
      tpu.enqueue_dma source(%arg15 : memref<128x16xf32, #tpu.memory_space<vmem>>) target(%dma_start3A_83 : memref<128x16xf32, #tpu.memory_space<vmem_shared>>) target_semaphore(%run_scoped3A : memref<!tpu.dma_semaphore, #tpu.memory_space<semaphore_mem>>)
      %dma_wait3A = arith.constant 0 : i32
      %dma_wait3A_84 = tpu.memref_slice %arg17[%add3A_32, %dma_wait3A] : memref<10240x16xf32, #tpu.memory_space<vmem_shared>> -> memref<128x16xf32, #tpu.memory_space<vmem_shared>>
      %dma_wait3A_85 = arith.constant 0 : i32
      %dma_wait3A_86 = tpu.memref_slice %arg17[%add3A_32, %dma_wait3A_85] : memref<10240x16xf32, #tpu.memory_space<vmem_shared>> -> memref<128x16xf32, #tpu.memory_space<vmem_shared>>
      tpu.wait_dma2 semaphore(%run_scoped3A : memref<!tpu.dma_semaphore, #tpu.memory_space<semaphore_mem>>) src(%arg15 : memref<128x16xf32, #tpu.memory_space<vmem>>) dst(%dma_wait3A_86 : memref<128x16xf32, #tpu.memory_space<vmem_shared>>)
      tpu.yield
    }) : () -> ()
    "tpu.region"() ({
      %run_scoped3A = tpu.sem_alloc : memref<!tpu.dma_semaphore, #tpu.memory_space<semaphore_mem>>
      tpu.enqueue_dma source(%arg7 : memref<128x16xf32, #tpu.memory_space<hbm>>) target(%arg13 : memref<128x16xf32, #tpu.memory_space<vmem>>) target_semaphore(%run_scoped3A : memref<!tpu.dma_semaphore, #tpu.memory_space<semaphore_mem>>)
      tpu.wait_dma2 semaphore(%run_scoped3A : memref<!tpu.dma_semaphore, #tpu.memory_space<semaphore_mem>>) src(%arg7 : memref<128x16xf32, #tpu.memory_space<hbm>>) dst(%arg13 : memref<128x16xf32, #tpu.memory_space<vmem>>)
      tpu.yield
    }) : () -> ()
    %barrier3A = arith.constant 0 : index
    tpu.barrier barrier_id(%barrier3A)
    %mul3A_33 = arith.constant 78 : i32
    %mul3A_34 = arith.muli %add3A, %mul3A_33 : i32
    %min3A = arith.constant 4 : i32
    %min3A_35 = arith.minsi %add3A, %min3A : i32
    %add3A_36 = arith.addi %mul3A_34, %min3A_35 : i32
    %lt3A = arith.constant 4 : i32
    %lt3A_37 = arith.cmpi slt, %add3A, %lt3A : i32
    %jit3A = arith.constant 1 : i32
    %jit3A_38 = arith.constant 0 : i32
    %select_n3A = arith.select %lt3A_37, %jit3A, %jit3A_38 : i32
    %add3A_39 = arith.constant 78 : i32
    %add3A_40 = arith.addi %add3A_39, %select_n3A : i32
    %while3A = arith.constant 0 : i32
    %while3A_41 = arith.constant 0 : i32
    %while3A_42 = arith.subi %add3A_40, %while3A_41 : i32
    %while3A_43 = arith.addi %while3A_41, %while3A_42 : i32
    %while3A_44 = arith.constant 1 : i32
    %while3A_45 = arith.divsi %while3A_42, %while3A_44 : i32
    %while3A_46 = arith.muli %while3A_45, %while3A_44 : i32
    %while3A_47 = arith.addi %while3A_41, %while3A_46 : i32
    %while3A_48 = arith.constant 1 : i32
    scf.for %while3A_81 = %while3A_41 to %while3A_47 step %while3A_48  : i32 {
      %add3A_82 = arith.addi %add3A_36, %while3A_81 : i32
      %mul3A_83 = arith.constant 128 : i32
      %mul3A_84 = arith.muli %add3A_82, %mul3A_83 : i32
      %multiple_of3A = tpu.assume_multiple %mul3A_84, 128 : i32
      "tpu.region"() ({
        %run_scoped3A = tpu.sem_alloc : memref<!tpu.dma_semaphore, #tpu.memory_space<semaphore_mem>>
        %dma_start3A_89 = tpu.memref_slice %arg3[%multiple_of3A] : memref<320000xi32, #tpu.memory_space<hbm>> -> memref<128xi32, #tpu.memory_space<hbm>>
        %dma_start3A_90 = tpu.memref_slice %arg3[%multiple_of3A] : memref<320000xi32, #tpu.memory_space<hbm>> -> memref<128xi32, #tpu.memory_space<hbm>>
        tpu.enqueue_dma source(%dma_start3A_90 : memref<128xi32, #tpu.memory_space<hbm>>) target(%arg10 : memref<128xi32, #tpu.memory_space<vmem>>) target_semaphore(%run_scoped3A : memref<!tpu.dma_semaphore, #tpu.memory_space<semaphore_mem>>)
        %dma_wait3A_91 = tpu.memref_slice %arg3[%multiple_of3A] : memref<320000xi32, #tpu.memory_space<hbm>> -> memref<128xi32, #tpu.memory_space<hbm>>
        %dma_wait3A_92 = tpu.memref_slice %arg3[%multiple_of3A] : memref<320000xi32, #tpu.memory_space<hbm>> -> memref<128xi32, #tpu.memory_space<hbm>>
        tpu.wait_dma2 semaphore(%run_scoped3A : memref<!tpu.dma_semaphore, #tpu.memory_space<semaphore_mem>>) src(%dma_wait3A_92 : memref<128xi32, #tpu.memory_space<hbm>>) dst(%arg10 : memref<128xi32, #tpu.memory_space<vmem>>)
        tpu.yield
      }) : () -> ()
      "tpu.region"() ({
        %run_scoped3A = tpu.sem_alloc : memref<!tpu.dma_semaphore, #tpu.memory_space<semaphore_mem>>
        %dma_start3A_89 = tpu.memref_slice %arg4[%multiple_of3A] : memref<320000xi32, #tpu.memory_space<hbm>> -> memref<128xi32, #tpu.memory_space<hbm>>
        %dma_start3A_90 = tpu.memref_slice %arg4[%multiple_of3A] : memref<320000xi32, #tpu.memory_space<hbm>> -> memref<128xi32, #tpu.memory_space<hbm>>
        tpu.enqueue_dma source(%dma_start3A_90 : memref<128xi32, #tpu.memory_space<hbm>>) target(%arg11 : memref<128xi32, #tpu.memory_space<vmem>>) target_semaphore(%run_scoped3A : memref<!tpu.dma_semaphore, #tpu.memory_space<semaphore_mem>>)
        %dma_wait3A_91 = tpu.memref_slice %arg4[%multiple_of3A] : memref<320000xi32, #tpu.memory_space<hbm>> -> memref<128xi32, #tpu.memory_space<hbm>>
        %dma_wait3A_92 = tpu.memref_slice %arg4[%multiple_of3A] : memref<320000xi32, #tpu.memory_space<hbm>> -> memref<128xi32, #tpu.memory_space<hbm>>
        tpu.wait_dma2 semaphore(%run_scoped3A : memref<!tpu.dma_semaphore, #tpu.memory_space<semaphore_mem>>) src(%dma_wait3A_92 : memref<128xi32, #tpu.memory_space<hbm>>) dst(%arg11 : memref<128xi32, #tpu.memory_space<vmem>>)
        tpu.yield
      }) : () -> ()
      %dma_start3A = arith.constant 0 : i32
      %dma_start3A_85 = arith.constant 0 : i32
      %dma_start3A_86 = tpu.memref_slice %arg2[%dma_start3A, %dma_start3A_85] : memref<10000x128xf32, #tpu.memory_space<hbm>> -> memref<10000x128xf32, #tpu.memory_space<hbm>>
      tpu.enqueue_indirect_dma source(%dma_start3A_86 : memref<10000x128xf32, #tpu.memory_space<hbm>>) target(%arg12 : memref<128x128xf32, #tpu.memory_space<vmem>>) offsets(%arg10 : memref<128xi32, #tpu.memory_space<vmem>>) semaphore(%arg18 : memref<!tpu.dma_semaphore, #tpu.memory_space<semaphore_mem>>)
      %dma_wait3A = arith.constant 0 : i32
      %dma_wait3A_87 = arith.constant 0 : i32
      %dma_wait3A_88 = tpu.memref_slice %arg2[%dma_wait3A, %dma_wait3A_87] : memref<10000x128xf32, #tpu.memory_space<hbm>> -> memref<10000x128xf32, #tpu.memory_space<hbm>>
      tpu.wait_indirect_dma semaphore(%arg18 : memref<!tpu.dma_semaphore, #tpu.memory_space<semaphore_mem>>) src(%dma_wait3A_88 : memref<10000x128xf32, #tpu.memory_space<hbm>>) dst(%arg12 : memref<128x128xf32, #tpu.memory_space<vmem>>)
      "tpu.region"() ({
        %run_scoped3A = tpu.sem_alloc : memref<!tpu.dma_semaphore, #tpu.memory_space<semaphore_mem>>
        %dma_start3A_89 = arith.constant 0 : i32
        %dma_start3A_90 = arith.constant 0 : i32
        %dma_start3A_91 = tpu.memref_slice %arg16[%dma_start3A_89, %dma_start3A_90] : memref<10240x128xf32, #tpu.memory_space<vmem_shared>> -> memref<10240x128xf32, #tpu.memory_space<vmem_shared>>
        tpu.enqueue_indirect_dma source(%arg12 : memref<128x128xf32, #tpu.memory_space<vmem>>) target(%dma_start3A_91 : memref<10240x128xf32, #tpu.memory_space<vmem_shared>>) offsets(%arg11 : memref<128xi32, #tpu.memory_space<vmem>>) semaphore(%run_scoped3A : memref<!tpu.dma_semaphore, #tpu.memory_space<semaphore_mem>>) {add = true}
        %dma_wait3A_92 = arith.constant 0 : i32
        %dma_wait3A_93 = arith.constant 0 : i32
        %dma_wait3A_94 = tpu.memref_slice %arg16[%dma_wait3A_92, %dma_wait3A_93] : memref<10240x128xf32, #tpu.memory_space<vmem_shared>> -> memref<10240x128xf32, #tpu.memory_space<vmem_shared>>
        tpu.wait_indirect_dma semaphore(%run_scoped3A : memref<!tpu.dma_semaphore, #tpu.memory_space<semaphore_mem>>) src(%arg12 : memref<128x128xf32, #tpu.memory_space<vmem>>) dst(%dma_wait3A_94 : memref<10240x128xf32, #tpu.memory_space<vmem_shared>>)
        tpu.yield
      }) : () -> ()
      "tpu.region"() ({
        %run_scoped3A = tpu.sem_alloc : memref<!tpu.dma_semaphore, #tpu.memory_space<semaphore_mem>>
        %dma_start3A_89 = arith.constant 0 : i32
        %dma_start3A_90 = arith.constant 0 : i32
        %dma_start3A_91 = tpu.memref_slice %arg17[%dma_start3A_89, %dma_start3A_90] : memref<10240x16xf32, #tpu.memory_space<vmem_shared>> -> memref<10240x16xf32, #tpu.memory_space<vmem_shared>>
        tpu.enqueue_indirect_dma source(%arg13 : memref<128x16xf32, #tpu.memory_space<vmem>>) target(%dma_start3A_91 : memref<10240x16xf32, #tpu.memory_space<vmem_shared>>) offsets(%arg11 : memref<128xi32, #tpu.memory_space<vmem>>) semaphore(%run_scoped3A : memref<!tpu.dma_semaphore, #tpu.memory_space<semaphore_mem>>) {add = true}
        %dma_wait3A_92 = arith.constant 0 : i32
        %dma_wait3A_93 = arith.constant 0 : i32
        %dma_wait3A_94 = tpu.memref_slice %arg17[%dma_wait3A_92, %dma_wait3A_93] : memref<10240x16xf32, #tpu.memory_space<vmem_shared>> -> memref<10240x16xf32, #tpu.memory_space<vmem_shared>>
        tpu.wait_indirect_dma semaphore(%run_scoped3A : memref<!tpu.dma_semaphore, #tpu.memory_space<semaphore_mem>>) src(%arg13 : memref<128x16xf32, #tpu.memory_space<vmem>>) dst(%dma_wait3A_94 : memref<10240x16xf32, #tpu.memory_space<vmem_shared>>)
        tpu.yield
      }) : () -> ()
    }
    %while3A_49 = arith.constant 1 : i32
    scf.for %while3A_81 = %while3A_47 to %while3A_43 step %while3A_49  : i32 {
      %add3A_82 = arith.addi %add3A_36, %while3A_81 : i32
      %mul3A_83 = arith.constant 128 : i32
      %mul3A_84 = arith.muli %add3A_82, %mul3A_83 : i32
      %multiple_of3A = tpu.assume_multiple %mul3A_84, 128 : i32
      "tpu.region"() ({
        %run_scoped3A = tpu.sem_alloc : memref<!tpu.dma_semaphore, #tpu.memory_space<semaphore_mem>>
        %dma_start3A_89 = tpu.memref_slice %arg3[%multiple_of3A] : memref<320000xi32, #tpu.memory_space<hbm>> -> memref<128xi32, #tpu.memory_space<hbm>>
        %dma_start3A_90 = tpu.memref_slice %arg3[%multiple_of3A] : memref<320000xi32, #tpu.memory_space<hbm>> -> memref<128xi32, #tpu.memory_space<hbm>>
        tpu.enqueue_dma source(%dma_start3A_90 : memref<128xi32, #tpu.memory_space<hbm>>) target(%arg10 : memref<128xi32, #tpu.memory_space<vmem>>) target_semaphore(%run_scoped3A : memref<!tpu.dma_semaphore, #tpu.memory_space<semaphore_mem>>)
        %dma_wait3A_91 = tpu.memref_slice %arg3[%multiple_of3A] : memref<320000xi32, #tpu.memory_space<hbm>> -> memref<128xi32, #tpu.memory_space<hbm>>
        %dma_wait3A_92 = tpu.memref_slice %arg3[%multiple_of3A] : memref<320000xi32, #tpu.memory_space<hbm>> -> memref<128xi32, #tpu.memory_space<hbm>>
        tpu.wait_dma2 semaphore(%run_scoped3A : memref<!tpu.dma_semaphore, #tpu.memory_space<semaphore_mem>>) src(%dma_wait3A_92 : memref<128xi32, #tpu.memory_space<hbm>>) dst(%arg10 : memref<128xi32, #tpu.memory_space<vmem>>)
        tpu.yield
      }) : () -> ()
      "tpu.region"() ({
        %run_scoped3A = tpu.sem_alloc : memref<!tpu.dma_semaphore, #tpu.memory_space<semaphore_mem>>
        %dma_start3A_89 = tpu.memref_slice %arg4[%multiple_of3A] : memref<320000xi32, #tpu.memory_space<hbm>> -> memref<128xi32, #tpu.memory_space<hbm>>
        %dma_start3A_90 = tpu.memref_slice %arg4[%multiple_of3A] : memref<320000xi32, #tpu.memory_space<hbm>> -> memref<128xi32, #tpu.memory_space<hbm>>
        tpu.enqueue_dma source(%dma_start3A_90 : memref<128xi32, #tpu.memory_space<hbm>>) target(%arg11 : memref<128xi32, #tpu.memory_space<vmem>>) target_semaphore(%run_scoped3A : memref<!tpu.dma_semaphore, #tpu.memory_space<semaphore_mem>>)
        %dma_wait3A_91 = tpu.memref_slice %arg4[%multiple_of3A] : memref<320000xi32, #tpu.memory_space<hbm>> -> memref<128xi32, #tpu.memory_space<hbm>>
        %dma_wait3A_92 = tpu.memref_slice %arg4[%multiple_of3A] : memref<320000xi32, #tpu.memory_space<hbm>> -> memref<128xi32, #tpu.memory_space<hbm>>
        tpu.wait_dma2 semaphore(%run_scoped3A : memref<!tpu.dma_semaphore, #tpu.memory_space<semaphore_mem>>) src(%dma_wait3A_92 : memref<128xi32, #tpu.memory_space<hbm>>) dst(%arg11 : memref<128xi32, #tpu.memory_space<vmem>>)
        tpu.yield
      }) : () -> ()
      %dma_start3A = arith.constant 0 : i32
      %dma_start3A_85 = arith.constant 0 : i32
      %dma_start3A_86 = tpu.memref_slice %arg2[%dma_start3A, %dma_start3A_85] : memref<10000x128xf32, #tpu.memory_space<hbm>> -> memref<10000x128xf32, #tpu.memory_space<hbm>>
      tpu.enqueue_indirect_dma source(%dma_start3A_86 : memref<10000x128xf32, #tpu.memory_space<hbm>>) target(%arg12 : memref<128x128xf32, #tpu.memory_space<vmem>>) offsets(%arg10 : memref<128xi32, #tpu.memory_space<vmem>>) semaphore(%arg18 : memref<!tpu.dma_semaphore, #tpu.memory_space<semaphore_mem>>)
      %dma_wait3A = arith.constant 0 : i32
      %dma_wait3A_87 = arith.constant 0 : i32
      %dma_wait3A_88 = tpu.memref_slice %arg2[%dma_wait3A, %dma_wait3A_87] : memref<10000x128xf32, #tpu.memory_space<hbm>> -> memref<10000x128xf32, #tpu.memory_space<hbm>>
      tpu.wait_indirect_dma semaphore(%arg18 : memref<!tpu.dma_semaphore, #tpu.memory_space<semaphore_mem>>) src(%dma_wait3A_88 : memref<10000x128xf32, #tpu.memory_space<hbm>>) dst(%arg12 : memref<128x128xf32, #tpu.memory_space<vmem>>)
      "tpu.region"() ({
        %run_scoped3A = tpu.sem_alloc : memref<!tpu.dma_semaphore, #tpu.memory_space<semaphore_mem>>
        %dma_start3A_89 = arith.constant 0 : i32
        %dma_start3A_90 = arith.constant 0 : i32
        %dma_start3A_91 = tpu.memref_slice %arg16[%dma_start3A_89, %dma_start3A_90] : memref<10240x128xf32, #tpu.memory_space<vmem_shared>> -> memref<10240x128xf32, #tpu.memory_space<vmem_shared>>
        tpu.enqueue_indirect_dma source(%arg12 : memref<128x128xf32, #tpu.memory_space<vmem>>) target(%dma_start3A_91 : memref<10240x128xf32, #tpu.memory_space<vmem_shared>>) offsets(%arg11 : memref<128xi32, #tpu.memory_space<vmem>>) semaphore(%run_scoped3A : memref<!tpu.dma_semaphore, #tpu.memory_space<semaphore_mem>>) {add = true}
        %dma_wait3A_92 = arith.constant 0 : i32
        %dma_wait3A_93 = arith.constant 0 : i32
        %dma_wait3A_94 = tpu.memref_slice %arg16[%dma_wait3A_92, %dma_wait3A_93] : memref<10240x128xf32, #tpu.memory_space<vmem_shared>> -> memref<10240x128xf32, #tpu.memory_space<vmem_shared>>
        tpu.wait_indirect_dma semaphore(%run_scoped3A : memref<!tpu.dma_semaphore, #tpu.memory_space<semaphore_mem>>) src(%arg12 : memref<128x128xf32, #tpu.memory_space<vmem>>) dst(%dma_wait3A_94 : memref<10240x128xf32, #tpu.memory_space<vmem_shared>>)
        tpu.yield
      }) : () -> ()
      "tpu.region"() ({
        %run_scoped3A = tpu.sem_alloc : memref<!tpu.dma_semaphore, #tpu.memory_space<semaphore_mem>>
        %dma_start3A_89 = arith.constant 0 : i32
        %dma_start3A_90 = arith.constant 0 : i32
        %dma_start3A_91 = tpu.memref_slice %arg17[%dma_start3A_89, %dma_start3A_90] : memref<10240x16xf32, #tpu.memory_space<vmem_shared>> -> memref<10240x16xf32, #tpu.memory_space<vmem_shared>>
        tpu.enqueue_indirect_dma source(%arg13 : memref<128x16xf32, #tpu.memory_space<vmem>>) target(%dma_start3A_91 : memref<10240x16xf32, #tpu.memory_space<vmem_shared>>) offsets(%arg11 : memref<128xi32, #tpu.memory_space<vmem>>) semaphore(%run_scoped3A : memref<!tpu.dma_semaphore, #tpu.memory_space<semaphore_mem>>) {add = true}
        %dma_wait3A_92 = arith.constant 0 : i32
        %dma_wait3A_93 = arith.constant 0 : i32
        %dma_wait3A_94 = tpu.memref_slice %arg17[%dma_wait3A_92, %dma_wait3A_93] : memref<10240x16xf32, #tpu.memory_space<vmem_shared>> -> memref<10240x16xf32, #tpu.memory_space<vmem_shared>>
        tpu.wait_indirect_dma semaphore(%run_scoped3A : memref<!tpu.dma_semaphore, #tpu.memory_space<semaphore_mem>>) src(%arg13 : memref<128x16xf32, #tpu.memory_space<vmem>>) dst(%dma_wait3A_94 : memref<10240x16xf32, #tpu.memory_space<vmem_shared>>)
        tpu.yield
      }) : () -> ()
    }
    %barrier3A_50 = arith.constant 0 : index
    tpu.barrier barrier_id(%barrier3A_50)
    %add3A_51 = arith.constant 0 : i32
    %add3A_52 = arith.addi %mul3A_2, %add3A_51 : i32
    "tpu.region"() ({
      %run_scoped3A = tpu.sem_alloc : memref<!tpu.dma_semaphore, #tpu.memory_space<semaphore_mem>>
      %dma_start3A = arith.constant 0 : i32
      %dma_start3A_81 = tpu.memref_slice %arg16[%add3A_52, %dma_start3A] : memref<10240x128xf32, #tpu.memory_space<vmem_shared>> -> memref<64x128xf32, #tpu.memory_space<vmem_shared>>
      %dma_start3A_82 = arith.constant 0 : i32
      %dma_start3A_83 = tpu.memref_slice %arg16[%add3A_52, %dma_start3A_82] : memref<10240x128xf32, #tpu.memory_space<vmem_shared>> -> memref<64x128xf32, #tpu.memory_space<vmem_shared>>
      tpu.enqueue_dma source(%dma_start3A_83 : memref<64x128xf32, #tpu.memory_space<vmem_shared>>) target(%arg14 : memref<64x128xf32, #tpu.memory_space<vmem>>) target_semaphore(%run_scoped3A : memref<!tpu.dma_semaphore, #tpu.memory_space<semaphore_mem>>)
      %dma_wait3A = arith.constant 0 : i32
      %dma_wait3A_84 = tpu.memref_slice %arg16[%add3A_52, %dma_wait3A] : memref<10240x128xf32, #tpu.memory_space<vmem_shared>> -> memref<64x128xf32, #tpu.memory_space<vmem_shared>>
      %dma_wait3A_85 = arith.constant 0 : i32
      %dma_wait3A_86 = tpu.memref_slice %arg16[%add3A_52, %dma_wait3A_85] : memref<10240x128xf32, #tpu.memory_space<vmem_shared>> -> memref<64x128xf32, #tpu.memory_space<vmem_shared>>
      tpu.wait_dma2 semaphore(%run_scoped3A : memref<!tpu.dma_semaphore, #tpu.memory_space<semaphore_mem>>) src(%dma_wait3A_86 : memref<64x128xf32, #tpu.memory_space<vmem_shared>>) dst(%arg14 : memref<64x128xf32, #tpu.memory_space<vmem>>)
      tpu.yield
    }) : () -> ()
    "tpu.region"() ({
      %run_scoped3A = tpu.sem_alloc : memref<!tpu.dma_semaphore, #tpu.memory_space<semaphore_mem>>
      %dma_start3A = arith.constant 0 : i32
      %dma_start3A_81 = tpu.memref_slice %arg8[%arg0, %add3A_52, %dma_start3A] : memref<2x10240x128xf32, #tpu.memory_space<hbm>> -> memref<1x64x128xf32, #tpu.memory_space<hbm>>
      %dma_start3A_82 = tpu.memref_squeeze %dma_start3A_81 : memref<1x64x128xf32, #tpu.memory_space<hbm>> -> memref<64x128xf32, #tpu.memory_space<hbm>>
      %dma_start3A_83 = arith.constant 0 : i32
      %dma_start3A_84 = tpu.memref_slice %arg8[%arg0, %add3A_52, %dma_start3A_83] : memref<2x10240x128xf32, #tpu.memory_space<hbm>> -> memref<1x64x128xf32, #tpu.memory_space<hbm>>
      %dma_start3A_85 = tpu.memref_squeeze %dma_start3A_84 : memref<1x64x128xf32, #tpu.memory_space<hbm>> -> memref<64x128xf32, #tpu.memory_space<hbm>>
      tpu.enqueue_dma source(%arg14 : memref<64x128xf32, #tpu.memory_space<vmem>>) target(%dma_start3A_85 : memref<64x128xf32, #tpu.memory_space<hbm>>) target_semaphore(%run_scoped3A : memref<!tpu.dma_semaphore, #tpu.memory_space<semaphore_mem>>)
      %dma_wait3A = arith.constant 0 : i32
      %dma_wait3A_86 = tpu.memref_slice %arg8[%arg0, %add3A_52, %dma_wait3A] : memref<2x10240x128xf32, #tpu.memory_space<hbm>> -> memref<1x64x128xf32, #tpu.memory_space<hbm>>
      %dma_wait3A_87 = tpu.memref_squeeze %dma_wait3A_86 : memref<1x64x128xf32, #tpu.memory_space<hbm>> -> memref<64x128xf32, #tpu.memory_space<hbm>>
      %dma_wait3A_88 = arith.constant 0 : i32
      %dma_wait3A_89 = tpu.memref_slice %arg8[%arg0, %add3A_52, %dma_wait3A_88] : memref<2x10240x128xf32, #tpu.memory_space<hbm>> -> memref<1x64x128xf32, #tpu.memory_space<hbm>>
      %dma_wait3A_90 = tpu.memref_squeeze %dma_wait3A_89 : memref<1x64x128xf32, #tpu.memory_space<hbm>> -> memref<64x128xf32, #tpu.memory_space<hbm>>
      tpu.wait_dma2 semaphore(%run_scoped3A : memref<!tpu.dma_semaphore, #tpu.memory_space<semaphore_mem>>) src(%arg14 : memref<64x128xf32, #tpu.memory_space<vmem>>) dst(%dma_wait3A_90 : memref<64x128xf32, #tpu.memory_space<hbm>>)
      tpu.yield
    }) : () -> ()
    %add3A_53 = arith.constant 64 : i32
    %add3A_54 = arith.addi %mul3A_2, %add3A_53 : i32
    "tpu.region"() ({
      %run_scoped3A = tpu.sem_alloc : memref<!tpu.dma_semaphore, #tpu.memory_space<semaphore_mem>>
      %dma_start3A = arith.constant 0 : i32
      %dma_start3A_81 = tpu.memref_slice %arg16[%add3A_54, %dma_start3A] : memref<10240x128xf32, #tpu.memory_space<vmem_shared>> -> memref<64x128xf32, #tpu.memory_space<vmem_shared>>
      %dma_start3A_82 = arith.constant 0 : i32
      %dma_start3A_83 = tpu.memref_slice %arg16[%add3A_54, %dma_start3A_82] : memref<10240x128xf32, #tpu.memory_space<vmem_shared>> -> memref<64x128xf32, #tpu.memory_space<vmem_shared>>
      tpu.enqueue_dma source(%dma_start3A_83 : memref<64x128xf32, #tpu.memory_space<vmem_shared>>) target(%arg14 : memref<64x128xf32, #tpu.memory_space<vmem>>) target_semaphore(%run_scoped3A : memref<!tpu.dma_semaphore, #tpu.memory_space<semaphore_mem>>)
      %dma_wait3A = arith.constant 0 : i32
      %dma_wait3A_84 = tpu.memref_slice %arg16[%add3A_54, %dma_wait3A] : memref<10240x128xf32, #tpu.memory_space<vmem_shared>> -> memref<64x128xf32, #tpu.memory_space<vmem_shared>>
      %dma_wait3A_85 = arith.constant 0 : i32
      %dma_wait3A_86 = tpu.memref_slice %arg16[%add3A_54, %dma_wait3A_85] : memref<10240x128xf32, #tpu.memory_space<vmem_shared>> -> memref<64x128xf32, #tpu.memory_space<vmem_shared>>
      tpu.wait_dma2 semaphore(%run_scoped3A : memref<!tpu.dma_semaphore, #tpu.memory_space<semaphore_mem>>) src(%dma_wait3A_86 : memref<64x128xf32, #tpu.memory_space<vmem_shared>>) dst(%arg14 : memref<64x128xf32, #tpu.memory_space<vmem>>)
      tpu.yield
    }) : () -> ()
    "tpu.region"() ({
      %run_scoped3A = tpu.sem_alloc : memref<!tpu.dma_semaphore, #tpu.memory_space<semaphore_mem>>
      %dma_start3A = arith.constant 0 : i32
      %dma_start3A_81 = tpu.memref_slice %arg8[%arg0, %add3A_54, %dma_start3A] : memref<2x10240x128xf32, #tpu.memory_space<hbm>> -> memref<1x64x128xf32, #tpu.memory_space<hbm>>
      %dma_start3A_82 = tpu.memref_squeeze %dma_start3A_81 : memref<1x64x128xf32, #tpu.memory_space<hbm>> -> memref<64x128xf32, #tpu.memory_space<hbm>>
      %dma_start3A_83 = arith.constant 0 : i32
      %dma_start3A_84 = tpu.memref_slice %arg8[%arg0, %add3A_54, %dma_start3A_83] : memref<2x10240x128xf32, #tpu.memory_space<hbm>> -> memref<1x64x128xf32, #tpu.memory_space<hbm>>
      %dma_start3A_85 = tpu.memref_squeeze %dma_start3A_84 : memref<1x64x128xf32, #tpu.memory_space<hbm>> -> memref<64x128xf32, #tpu.memory_space<hbm>>
      tpu.enqueue_dma source(%arg14 : memref<64x128xf32, #tpu.memory_space<vmem>>) target(%dma_start3A_85 : memref<64x128xf32, #tpu.memory_space<hbm>>) target_semaphore(%run_scoped3A : memref<!tpu.dma_semaphore, #tpu.memory_space<semaphore_mem>>)
      %dma_wait3A = arith.constant 0 : i32
      %dma_wait3A_86 = tpu.memref_slice %arg8[%arg0, %add3A_54, %dma_wait3A] : memref<2x10240x128xf32, #tpu.memory_space<hbm>> -> memref<1x64x128xf32, #tpu.memory_space<hbm>>
      %dma_wait3A_87 = tpu.memref_squeeze %dma_wait3A_86 : memref<1x64x128xf32, #tpu.memory_space<hbm>> -> memref<64x128xf32, #tpu.memory_space<hbm>>
      %dma_wait3A_88 = arith.constant 0 : i32
      %dma_wait3A_89 = tpu.memref_slice %arg8[%arg0, %add3A_54, %dma_wait3A_88] : memref<2x10240x128xf32, #tpu.memory_space<hbm>> -> memref<1x64x128xf32, #tpu.memory_space<hbm>>
      %dma_wait3A_90 = tpu.memref_squeeze %dma_wait3A_89 : memref<1x64x128xf32, #tpu.memory_space<hbm>> -> memref<64x128xf32, #tpu.memory_space<hbm>>
      tpu.wait_dma2 semaphore(%run_scoped3A : memref<!tpu.dma_semaphore, #tpu.memory_space<semaphore_mem>>) src(%arg14 : memref<64x128xf32, #tpu.memory_space<vmem>>) dst(%dma_wait3A_90 : memref<64x128xf32, #tpu.memory_space<hbm>>)
      tpu.yield
    }) : () -> ()
    %add3A_55 = arith.constant 128 : i32
    %add3A_56 = arith.addi %mul3A_2, %add3A_55 : i32
    "tpu.region"() ({
      %run_scoped3A = tpu.sem_alloc : memref<!tpu.dma_semaphore, #tpu.memory_space<semaphore_mem>>
      %dma_start3A = arith.constant 0 : i32
      %dma_start3A_81 = tpu.memref_slice %arg16[%add3A_56, %dma_start3A] : memref<10240x128xf32, #tpu.memory_space<vmem_shared>> -> memref<64x128xf32, #tpu.memory_space<vmem_shared>>
      %dma_start3A_82 = arith.constant 0 : i32
      %dma_start3A_83 = tpu.memref_slice %arg16[%add3A_56, %dma_start3A_82] : memref<10240x128xf32, #tpu.memory_space<vmem_shared>> -> memref<64x128xf32, #tpu.memory_space<vmem_shared>>
      tpu.enqueue_dma source(%dma_start3A_83 : memref<64x128xf32, #tpu.memory_space<vmem_shared>>) target(%arg14 : memref<64x128xf32, #tpu.memory_space<vmem>>) target_semaphore(%run_scoped3A : memref<!tpu.dma_semaphore, #tpu.memory_space<semaphore_mem>>)
      %dma_wait3A = arith.constant 0 : i32
      %dma_wait3A_84 = tpu.memref_slice %arg16[%add3A_56, %dma_wait3A] : memref<10240x128xf32, #tpu.memory_space<vmem_shared>> -> memref<64x128xf32, #tpu.memory_space<vmem_shared>>
      %dma_wait3A_85 = arith.constant 0 : i32
      %dma_wait3A_86 = tpu.memref_slice %arg16[%add3A_56, %dma_wait3A_85] : memref<10240x128xf32, #tpu.memory_space<vmem_shared>> -> memref<64x128xf32, #tpu.memory_space<vmem_shared>>
      tpu.wait_dma2 semaphore(%run_scoped3A : memref<!tpu.dma_semaphore, #tpu.memory_space<semaphore_mem>>) src(%dma_wait3A_86 : memref<64x128xf32, #tpu.memory_space<vmem_shared>>) dst(%arg14 : memref<64x128xf32, #tpu.memory_space<vmem>>)
      tpu.yield
    }) : () -> ()
    "tpu.region"() ({
      %run_scoped3A = tpu.sem_alloc : memref<!tpu.dma_semaphore, #tpu.memory_space<semaphore_mem>>
      %dma_start3A = arith.constant 0 : i32
      %dma_start3A_81 = tpu.memref_slice %arg8[%arg0, %add3A_56, %dma_start3A] : memref<2x10240x128xf32, #tpu.memory_space<hbm>> -> memref<1x64x128xf32, #tpu.memory_space<hbm>>
      %dma_start3A_82 = tpu.memref_squeeze %dma_start3A_81 : memref<1x64x128xf32, #tpu.memory_space<hbm>> -> memref<64x128xf32, #tpu.memory_space<hbm>>
      %dma_start3A_83 = arith.constant 0 : i32
      %dma_start3A_84 = tpu.memref_slice %arg8[%arg0, %add3A_56, %dma_start3A_83] : memref<2x10240x128xf32, #tpu.memory_space<hbm>> -> memref<1x64x128xf32, #tpu.memory_space<hbm>>
      %dma_start3A_85 = tpu.memref_squeeze %dma_start3A_84 : memref<1x64x128xf32, #tpu.memory_space<hbm>> -> memref<64x128xf32, #tpu.memory_space<hbm>>
      tpu.enqueue_dma source(%arg14 : memref<64x128xf32, #tpu.memory_space<vmem>>) target(%dma_start3A_85 : memref<64x128xf32, #tpu.memory_space<hbm>>) target_semaphore(%run_scoped3A : memref<!tpu.dma_semaphore, #tpu.memory_space<semaphore_mem>>)
      %dma_wait3A = arith.constant 0 : i32
      %dma_wait3A_86 = tpu.memref_slice %arg8[%arg0, %add3A_56, %dma_wait3A] : memref<2x10240x128xf32, #tpu.memory_space<hbm>> -> memref<1x64x128xf32, #tpu.memory_space<hbm>>
      %dma_wait3A_87 = tpu.memref_squeeze %dma_wait3A_86 : memref<1x64x128xf32, #tpu.memory_space<hbm>> -> memref<64x128xf32, #tpu.memory_space<hbm>>
      %dma_wait3A_88 = arith.constant 0 : i32
      %dma_wait3A_89 = tpu.memref_slice %arg8[%arg0, %add3A_56, %dma_wait3A_88] : memref<2x10240x128xf32, #tpu.memory_space<hbm>> -> memref<1x64x128xf32, #tpu.memory_space<hbm>>
      %dma_wait3A_90 = tpu.memref_squeeze %dma_wait3A_89 : memref<1x64x128xf32, #tpu.memory_space<hbm>> -> memref<64x128xf32, #tpu.memory_space<hbm>>
      tpu.wait_dma2 semaphore(%run_scoped3A : memref<!tpu.dma_semaphore, #tpu.memory_space<semaphore_mem>>) src(%arg14 : memref<64x128xf32, #tpu.memory_space<vmem>>) dst(%dma_wait3A_90 : memref<64x128xf32, #tpu.memory_space<hbm>>)
      tpu.yield
    }) : () -> ()
    %add3A_57 = arith.constant 192 : i32
    %add3A_58 = arith.addi %mul3A_2, %add3A_57 : i32
    "tpu.region"() ({
      %run_scoped3A = tpu.sem_alloc : memref<!tpu.dma_semaphore, #tpu.memory_space<semaphore_mem>>
      %dma_start3A = arith.constant 0 : i32
      %dma_start3A_81 = tpu.memref_slice %arg16[%add3A_58, %dma_start3A] : memref<10240x128xf32, #tpu.memory_space<vmem_shared>> -> memref<64x128xf32, #tpu.memory_space<vmem_shared>>
      %dma_start3A_82 = arith.constant 0 : i32
      %dma_start3A_83 = tpu.memref_slice %arg16[%add3A_58, %dma_start3A_82] : memref<10240x128xf32, #tpu.memory_space<vmem_shared>> -> memref<64x128xf32, #tpu.memory_space<vmem_shared>>
      tpu.enqueue_dma source(%dma_start3A_83 : memref<64x128xf32, #tpu.memory_space<vmem_shared>>) target(%arg14 : memref<64x128xf32, #tpu.memory_space<vmem>>) target_semaphore(%run_scoped3A : memref<!tpu.dma_semaphore, #tpu.memory_space<semaphore_mem>>)
      %dma_wait3A = arith.constant 0 : i32
      %dma_wait3A_84 = tpu.memref_slice %arg16[%add3A_58, %dma_wait3A] : memref<10240x128xf32, #tpu.memory_space<vmem_shared>> -> memref<64x128xf32, #tpu.memory_space<vmem_shared>>
      %dma_wait3A_85 = arith.constant 0 : i32
      %dma_wait3A_86 = tpu.memref_slice %arg16[%add3A_58, %dma_wait3A_85] : memref<10240x128xf32, #tpu.memory_space<vmem_shared>> -> memref<64x128xf32, #tpu.memory_space<vmem_shared>>
      tpu.wait_dma2 semaphore(%run_scoped3A : memref<!tpu.dma_semaphore, #tpu.memory_space<semaphore_mem>>) src(%dma_wait3A_86 : memref<64x128xf32, #tpu.memory_space<vmem_shared>>) dst(%arg14 : memref<64x128xf32, #tpu.memory_space<vmem>>)
      tpu.yield
    }) : () -> ()
    "tpu.region"() ({
      %run_scoped3A = tpu.sem_alloc : memref<!tpu.dma_semaphore, #tpu.memory_space<semaphore_mem>>
      %dma_start3A = arith.constant 0 : i32
      %dma_start3A_81 = tpu.memref_slice %arg8[%arg0, %add3A_58, %dma_start3A] : memref<2x10240x128xf32, #tpu.memory_space<hbm>> -> memref<1x64x128xf32, #tpu.memory_space<hbm>>
      %dma_start3A_82 = tpu.memref_squeeze %dma_start3A_81 : memref<1x64x128xf32, #tpu.memory_space<hbm>> -> memref<64x128xf32, #tpu.memory_space<hbm>>
      %dma_start3A_83 = arith.constant 0 : i32
      %dma_start3A_84 = tpu.memref_slice %arg8[%arg0, %add3A_58, %dma_start3A_83] : memref<2x10240x128xf32, #tpu.memory_space<hbm>> -> memref<1x64x128xf32, #tpu.memory_space<hbm>>
      %dma_start3A_85 = tpu.memref_squeeze %dma_start3A_84 : memref<1x64x128xf32, #tpu.memory_space<hbm>> -> memref<64x128xf32, #tpu.memory_space<hbm>>
      tpu.enqueue_dma source(%arg14 : memref<64x128xf32, #tpu.memory_space<vmem>>) target(%dma_start3A_85 : memref<64x128xf32, #tpu.memory_space<hbm>>) target_semaphore(%run_scoped3A : memref<!tpu.dma_semaphore, #tpu.memory_space<semaphore_mem>>)
      %dma_wait3A = arith.constant 0 : i32
      %dma_wait3A_86 = tpu.memref_slice %arg8[%arg0, %add3A_58, %dma_wait3A] : memref<2x10240x128xf32, #tpu.memory_space<hbm>> -> memref<1x64x128xf32, #tpu.memory_space<hbm>>
      %dma_wait3A_87 = tpu.memref_squeeze %dma_wait3A_86 : memref<1x64x128xf32, #tpu.memory_space<hbm>> -> memref<64x128xf32, #tpu.memory_space<hbm>>
      %dma_wait3A_88 = arith.constant 0 : i32
      %dma_wait3A_89 = tpu.memref_slice %arg8[%arg0, %add3A_58, %dma_wait3A_88] : memref<2x10240x128xf32, #tpu.memory_space<hbm>> -> memref<1x64x128xf32, #tpu.memory_space<hbm>>
      %dma_wait3A_90 = tpu.memref_squeeze %dma_wait3A_89 : memref<1x64x128xf32, #tpu.memory_space<hbm>> -> memref<64x128xf32, #tpu.memory_space<hbm>>
      tpu.wait_dma2 semaphore(%run_scoped3A : memref<!tpu.dma_semaphore, #tpu.memory_space<semaphore_mem>>) src(%arg14 : memref<64x128xf32, #tpu.memory_space<vmem>>) dst(%dma_wait3A_90 : memref<64x128xf32, #tpu.memory_space<hbm>>)
      tpu.yield
    }) : () -> ()
    %add3A_59 = arith.constant 256 : i32
    %add3A_60 = arith.addi %mul3A_2, %add3A_59 : i32
    "tpu.region"() ({
      %run_scoped3A = tpu.sem_alloc : memref<!tpu.dma_semaphore, #tpu.memory_space<semaphore_mem>>
      %dma_start3A = arith.constant 0 : i32
      %dma_start3A_81 = tpu.memref_slice %arg16[%add3A_60, %dma_start3A] : memref<10240x128xf32, #tpu.memory_space<vmem_shared>> -> memref<64x128xf32, #tpu.memory_space<vmem_shared>>
      %dma_start3A_82 = arith.constant 0 : i32
      %dma_start3A_83 = tpu.memref_slice %arg16[%add3A_60, %dma_start3A_82] : memref<10240x128xf32, #tpu.memory_space<vmem_shared>> -> memref<64x128xf32, #tpu.memory_space<vmem_shared>>
      tpu.enqueue_dma source(%dma_start3A_83 : memref<64x128xf32, #tpu.memory_space<vmem_shared>>) target(%arg14 : memref<64x128xf32, #tpu.memory_space<vmem>>) target_semaphore(%run_scoped3A : memref<!tpu.dma_semaphore, #tpu.memory_space<semaphore_mem>>)
      %dma_wait3A = arith.constant 0 : i32
      %dma_wait3A_84 = tpu.memref_slice %arg16[%add3A_60, %dma_wait3A] : memref<10240x128xf32, #tpu.memory_space<vmem_shared>> -> memref<64x128xf32, #tpu.memory_space<vmem_shared>>
      %dma_wait3A_85 = arith.constant 0 : i32
      %dma_wait3A_86 = tpu.memref_slice %arg16[%add3A_60, %dma_wait3A_85] : memref<10240x128xf32, #tpu.memory_space<vmem_shared>> -> memref<64x128xf32, #tpu.memory_space<vmem_shared>>
      tpu.wait_dma2 semaphore(%run_scoped3A : memref<!tpu.dma_semaphore, #tpu.memory_space<semaphore_mem>>) src(%dma_wait3A_86 : memref<64x128xf32, #tpu.memory_space<vmem_shared>>) dst(%arg14 : memref<64x128xf32, #tpu.memory_space<vmem>>)
      tpu.yield
    }) : () -> ()
    "tpu.region"() ({
      %run_scoped3A = tpu.sem_alloc : memref<!tpu.dma_semaphore, #tpu.memory_space<semaphore_mem>>
      %dma_start3A = arith.constant 0 : i32
      %dma_start3A_81 = tpu.memref_slice %arg8[%arg0, %add3A_60, %dma_start3A] : memref<2x10240x128xf32, #tpu.memory_space<hbm>> -> memref<1x64x128xf32, #tpu.memory_space<hbm>>
      %dma_start3A_82 = tpu.memref_squeeze %dma_start3A_81 : memref<1x64x128xf32, #tpu.memory_space<hbm>> -> memref<64x128xf32, #tpu.memory_space<hbm>>
      %dma_start3A_83 = arith.constant 0 : i32
      %dma_start3A_84 = tpu.memref_slice %arg8[%arg0, %add3A_60, %dma_start3A_83] : memref<2x10240x128xf32, #tpu.memory_space<hbm>> -> memref<1x64x128xf32, #tpu.memory_space<hbm>>
      %dma_start3A_85 = tpu.memref_squeeze %dma_start3A_84 : memref<1x64x128xf32, #tpu.memory_space<hbm>> -> memref<64x128xf32, #tpu.memory_space<hbm>>
      tpu.enqueue_dma source(%arg14 : memref<64x128xf32, #tpu.memory_space<vmem>>) target(%dma_start3A_85 : memref<64x128xf32, #tpu.memory_space<hbm>>) target_semaphore(%run_scoped3A : memref<!tpu.dma_semaphore, #tpu.memory_space<semaphore_mem>>)
      %dma_wait3A = arith.constant 0 : i32
      %dma_wait3A_86 = tpu.memref_slice %arg8[%arg0, %add3A_60, %dma_wait3A] : memref<2x10240x128xf32, #tpu.memory_space<hbm>> -> memref<1x64x128xf32, #tpu.memory_space<hbm>>
      %dma_wait3A_87 = tpu.memref_squeeze %dma_wait3A_86 : memref<1x64x128xf32, #tpu.memory_space<hbm>> -> memref<64x128xf32, #tpu.memory_space<hbm>>
      %dma_wait3A_88 = arith.constant 0 : i32
      %dma_wait3A_89 = tpu.memref_slice %arg8[%arg0, %add3A_60, %dma_wait3A_88] : memref<2x10240x128xf32, #tpu.memory_space<hbm>> -> memref<1x64x128xf32, #tpu.memory_space<hbm>>
      %dma_wait3A_90 = tpu.memref_squeeze %dma_wait3A_89 : memref<1x64x128xf32, #tpu.memory_space<hbm>> -> memref<64x128xf32, #tpu.memory_space<hbm>>
      tpu.wait_dma2 semaphore(%run_scoped3A : memref<!tpu.dma_semaphore, #tpu.memory_space<semaphore_mem>>) src(%arg14 : memref<64x128xf32, #tpu.memory_space<vmem>>) dst(%dma_wait3A_90 : memref<64x128xf32, #tpu.memory_space<hbm>>)
      tpu.yield
    }) : () -> ()
    %add3A_61 = arith.constant 320 : i32
    %add3A_62 = arith.addi %mul3A_2, %add3A_61 : i32
    "tpu.region"() ({
      %run_scoped3A = tpu.sem_alloc : memref<!tpu.dma_semaphore, #tpu.memory_space<semaphore_mem>>
      %dma_start3A = arith.constant 0 : i32
      %dma_start3A_81 = tpu.memref_slice %arg16[%add3A_62, %dma_start3A] : memref<10240x128xf32, #tpu.memory_space<vmem_shared>> -> memref<64x128xf32, #tpu.memory_space<vmem_shared>>
      %dma_start3A_82 = arith.constant 0 : i32
      %dma_start3A_83 = tpu.memref_slice %arg16[%add3A_62, %dma_start3A_82] : memref<10240x128xf32, #tpu.memory_space<vmem_shared>> -> memref<64x128xf32, #tpu.memory_space<vmem_shared>>
      tpu.enqueue_dma source(%dma_start3A_83 : memref<64x128xf32, #tpu.memory_space<vmem_shared>>) target(%arg14 : memref<64x128xf32, #tpu.memory_space<vmem>>) target_semaphore(%run_scoped3A : memref<!tpu.dma_semaphore, #tpu.memory_space<semaphore_mem>>)
      %dma_wait3A = arith.constant 0 : i32
      %dma_wait3A_84 = tpu.memref_slice %arg16[%add3A_62, %dma_wait3A] : memref<10240x128xf32, #tpu.memory_space<vmem_shared>> -> memref<64x128xf32, #tpu.memory_space<vmem_shared>>
      %dma_wait3A_85 = arith.constant 0 : i32
      %dma_wait3A_86 = tpu.memref_slice %arg16[%add3A_62, %dma_wait3A_85] : memref<10240x128xf32, #tpu.memory_space<vmem_shared>> -> memref<64x128xf32, #tpu.memory_space<vmem_shared>>
      tpu.wait_dma2 semaphore(%run_scoped3A : memref<!tpu.dma_semaphore, #tpu.memory_space<semaphore_mem>>) src(%dma_wait3A_86 : memref<64x128xf32, #tpu.memory_space<vmem_shared>>) dst(%arg14 : memref<64x128xf32, #tpu.memory_space<vmem>>)
      tpu.yield
    }) : () -> ()
    "tpu.region"() ({
      %run_scoped3A = tpu.sem_alloc : memref<!tpu.dma_semaphore, #tpu.memory_space<semaphore_mem>>
      %dma_start3A = arith.constant 0 : i32
      %dma_start3A_81 = tpu.memref_slice %arg8[%arg0, %add3A_62, %dma_start3A] : memref<2x10240x128xf32, #tpu.memory_space<hbm>> -> memref<1x64x128xf32, #tpu.memory_space<hbm>>
      %dma_start3A_82 = tpu.memref_squeeze %dma_start3A_81 : memref<1x64x128xf32, #tpu.memory_space<hbm>> -> memref<64x128xf32, #tpu.memory_space<hbm>>
      %dma_start3A_83 = arith.constant 0 : i32
      %dma_start3A_84 = tpu.memref_slice %arg8[%arg0, %add3A_62, %dma_start3A_83] : memref<2x10240x128xf32, #tpu.memory_space<hbm>> -> memref<1x64x128xf32, #tpu.memory_space<hbm>>
      %dma_start3A_85 = tpu.memref_squeeze %dma_start3A_84 : memref<1x64x128xf32, #tpu.memory_space<hbm>> -> memref<64x128xf32, #tpu.memory_space<hbm>>
      tpu.enqueue_dma source(%arg14 : memref<64x128xf32, #tpu.memory_space<vmem>>) target(%dma_start3A_85 : memref<64x128xf32, #tpu.memory_space<hbm>>) target_semaphore(%run_scoped3A : memref<!tpu.dma_semaphore, #tpu.memory_space<semaphore_mem>>)
      %dma_wait3A = arith.constant 0 : i32
      %dma_wait3A_86 = tpu.memref_slice %arg8[%arg0, %add3A_62, %dma_wait3A] : memref<2x10240x128xf32, #tpu.memory_space<hbm>> -> memref<1x64x128xf32, #tpu.memory_space<hbm>>
      %dma_wait3A_87 = tpu.memref_squeeze %dma_wait3A_86 : memref<1x64x128xf32, #tpu.memory_space<hbm>> -> memref<64x128xf32, #tpu.memory_space<hbm>>
      %dma_wait3A_88 = arith.constant 0 : i32
      %dma_wait3A_89 = tpu.memref_slice %arg8[%arg0, %add3A_62, %dma_wait3A_88] : memref<2x10240x128xf32, #tpu.memory_space<hbm>> -> memref<1x64x128xf32, #tpu.memory_space<hbm>>
      %dma_wait3A_90 = tpu.memref_squeeze %dma_wait3A_89 : memref<1x64x128xf32, #tpu.memory_space<hbm>> -> memref<64x128xf32, #tpu.memory_space<hbm>>
      tpu.wait_dma2 semaphore(%run_scoped3A : memref<!tpu.dma_semaphore, #tpu.memory_space<semaphore_mem>>) src(%arg14 : memref<64x128xf32, #tpu.memory_space<vmem>>) dst(%dma_wait3A_90 : memref<64x128xf32, #tpu.memory_space<hbm>>)
      tpu.yield
    }) : () -> ()
    %add3A_63 = arith.constant 384 : i32
    %add3A_64 = arith.addi %mul3A_2, %add3A_63 : i32
    "tpu.region"() ({
      %run_scoped3A = tpu.sem_alloc : memref<!tpu.dma_semaphore, #tpu.memory_space<semaphore_mem>>
      %dma_start3A = arith.constant 0 : i32
      %dma_start3A_81 = tpu.memref_slice %arg16[%add3A_64, %dma_start3A] : memref<10240x128xf32, #tpu.memory_space<vmem_shared>> -> memref<64x128xf32, #tpu.memory_space<vmem_shared>>
      %dma_start3A_82 = arith.constant 0 : i32
      %dma_start3A_83 = tpu.memref_slice %arg16[%add3A_64, %dma_start3A_82] : memref<10240x128xf32, #tpu.memory_space<vmem_shared>> -> memref<64x128xf32, #tpu.memory_space<vmem_shared>>
      tpu.enqueue_dma source(%dma_start3A_83 : memref<64x128xf32, #tpu.memory_space<vmem_shared>>) target(%arg14 : memref<64x128xf32, #tpu.memory_space<vmem>>) target_semaphore(%run_scoped3A : memref<!tpu.dma_semaphore, #tpu.memory_space<semaphore_mem>>)
      %dma_wait3A = arith.constant 0 : i32
      %dma_wait3A_84 = tpu.memref_slice %arg16[%add3A_64, %dma_wait3A] : memref<10240x128xf32, #tpu.memory_space<vmem_shared>> -> memref<64x128xf32, #tpu.memory_space<vmem_shared>>
      %dma_wait3A_85 = arith.constant 0 : i32
      %dma_wait3A_86 = tpu.memref_slice %arg16[%add3A_64, %dma_wait3A_85] : memref<10240x128xf32, #tpu.memory_space<vmem_shared>> -> memref<64x128xf32, #tpu.memory_space<vmem_shared>>
      tpu.wait_dma2 semaphore(%run_scoped3A : memref<!tpu.dma_semaphore, #tpu.memory_space<semaphore_mem>>) src(%dma_wait3A_86 : memref<64x128xf32, #tpu.memory_space<vmem_shared>>) dst(%arg14 : memref<64x128xf32, #tpu.memory_space<vmem>>)
      tpu.yield
    }) : () -> ()
    "tpu.region"() ({
      %run_scoped3A = tpu.sem_alloc : memref<!tpu.dma_semaphore, #tpu.memory_space<semaphore_mem>>
      %dma_start3A = arith.constant 0 : i32
      %dma_start3A_81 = tpu.memref_slice %arg8[%arg0, %add3A_64, %dma_start3A] : memref<2x10240x128xf32, #tpu.memory_space<hbm>> -> memref<1x64x128xf32, #tpu.memory_space<hbm>>
      %dma_start3A_82 = tpu.memref_squeeze %dma_start3A_81 : memref<1x64x128xf32, #tpu.memory_space<hbm>> -> memref<64x128xf32, #tpu.memory_space<hbm>>
      %dma_start3A_83 = arith.constant 0 : i32
      %dma_start3A_84 = tpu.memref_slice %arg8[%arg0, %add3A_64, %dma_start3A_83] : memref<2x10240x128xf32, #tpu.memory_space<hbm>> -> memref<1x64x128xf32, #tpu.memory_space<hbm>>
      %dma_start3A_85 = tpu.memref_squeeze %dma_start3A_84 : memref<1x64x128xf32, #tpu.memory_space<hbm>> -> memref<64x128xf32, #tpu.memory_space<hbm>>
      tpu.enqueue_dma source(%arg14 : memref<64x128xf32, #tpu.memory_space<vmem>>) target(%dma_start3A_85 : memref<64x128xf32, #tpu.memory_space<hbm>>) target_semaphore(%run_scoped3A : memref<!tpu.dma_semaphore, #tpu.memory_space<semaphore_mem>>)
      %dma_wait3A = arith.constant 0 : i32
      %dma_wait3A_86 = tpu.memref_slice %arg8[%arg0, %add3A_64, %dma_wait3A] : memref<2x10240x128xf32, #tpu.memory_space<hbm>> -> memref<1x64x128xf32, #tpu.memory_space<hbm>>
      %dma_wait3A_87 = tpu.memref_squeeze %dma_wait3A_86 : memref<1x64x128xf32, #tpu.memory_space<hbm>> -> memref<64x128xf32, #tpu.memory_space<hbm>>
      %dma_wait3A_88 = arith.constant 0 : i32
      %dma_wait3A_89 = tpu.memref_slice %arg8[%arg0, %add3A_64, %dma_wait3A_88] : memref<2x10240x128xf32, #tpu.memory_space<hbm>> -> memref<1x64x128xf32, #tpu.memory_space<hbm>>
      %dma_wait3A_90 = tpu.memref_squeeze %dma_wait3A_89 : memref<1x64x128xf32, #tpu.memory_space<hbm>> -> memref<64x128xf32, #tpu.memory_space<hbm>>
      tpu.wait_dma2 semaphore(%run_scoped3A : memref<!tpu.dma_semaphore, #tpu.memory_space<semaphore_mem>>) src(%arg14 : memref<64x128xf32, #tpu.memory_space<vmem>>) dst(%dma_wait3A_90 : memref<64x128xf32, #tpu.memory_space<hbm>>)
      tpu.yield
    }) : () -> ()
    %add3A_65 = arith.constant 448 : i32
    %add3A_66 = arith.addi %mul3A_2, %add3A_65 : i32
    "tpu.region"() ({
      %run_scoped3A = tpu.sem_alloc : memref<!tpu.dma_semaphore, #tpu.memory_space<semaphore_mem>>
      %dma_start3A = arith.constant 0 : i32
      %dma_start3A_81 = tpu.memref_slice %arg16[%add3A_66, %dma_start3A] : memref<10240x128xf32, #tpu.memory_space<vmem_shared>> -> memref<64x128xf32, #tpu.memory_space<vmem_shared>>
      %dma_start3A_82 = arith.constant 0 : i32
      %dma_start3A_83 = tpu.memref_slice %arg16[%add3A_66, %dma_start3A_82] : memref<10240x128xf32, #tpu.memory_space<vmem_shared>> -> memref<64x128xf32, #tpu.memory_space<vmem_shared>>
      tpu.enqueue_dma source(%dma_start3A_83 : memref<64x128xf32, #tpu.memory_space<vmem_shared>>) target(%arg14 : memref<64x128xf32, #tpu.memory_space<vmem>>) target_semaphore(%run_scoped3A : memref<!tpu.dma_semaphore, #tpu.memory_space<semaphore_mem>>)
      %dma_wait3A = arith.constant 0 : i32
      %dma_wait3A_84 = tpu.memref_slice %arg16[%add3A_66, %dma_wait3A] : memref<10240x128xf32, #tpu.memory_space<vmem_shared>> -> memref<64x128xf32, #tpu.memory_space<vmem_shared>>
      %dma_wait3A_85 = arith.constant 0 : i32
      %dma_wait3A_86 = tpu.memref_slice %arg16[%add3A_66, %dma_wait3A_85] : memref<10240x128xf32, #tpu.memory_space<vmem_shared>> -> memref<64x128xf32, #tpu.memory_space<vmem_shared>>
      tpu.wait_dma2 semaphore(%run_scoped3A : memref<!tpu.dma_semaphore, #tpu.memory_space<semaphore_mem>>) src(%dma_wait3A_86 : memref<64x128xf32, #tpu.memory_space<vmem_shared>>) dst(%arg14 : memref<64x128xf32, #tpu.memory_space<vmem>>)
      tpu.yield
    }) : () -> ()
    "tpu.region"() ({
      %run_scoped3A = tpu.sem_alloc : memref<!tpu.dma_semaphore, #tpu.memory_space<semaphore_mem>>
      %dma_start3A = arith.constant 0 : i32
      %dma_start3A_81 = tpu.memref_slice %arg8[%arg0, %add3A_66, %dma_start3A] : memref<2x10240x128xf32, #tpu.memory_space<hbm>> -> memref<1x64x128xf32, #tpu.memory_space<hbm>>
      %dma_start3A_82 = tpu.memref_squeeze %dma_start3A_81 : memref<1x64x128xf32, #tpu.memory_space<hbm>> -> memref<64x128xf32, #tpu.memory_space<hbm>>
      %dma_start3A_83 = arith.constant 0 : i32
      %dma_start3A_84 = tpu.memref_slice %arg8[%arg0, %add3A_66, %dma_start3A_83] : memref<2x10240x128xf32, #tpu.memory_space<hbm>> -> memref<1x64x128xf32, #tpu.memory_space<hbm>>
      %dma_start3A_85 = tpu.memref_squeeze %dma_start3A_84 : memref<1x64x128xf32, #tpu.memory_space<hbm>> -> memref<64x128xf32, #tpu.memory_space<hbm>>
      tpu.enqueue_dma source(%arg14 : memref<64x128xf32, #tpu.memory_space<vmem>>) target(%dma_start3A_85 : memref<64x128xf32, #tpu.memory_space<hbm>>) target_semaphore(%run_scoped3A : memref<!tpu.dma_semaphore, #tpu.memory_space<semaphore_mem>>)
      %dma_wait3A = arith.constant 0 : i32
      %dma_wait3A_86 = tpu.memref_slice %arg8[%arg0, %add3A_66, %dma_wait3A] : memref<2x10240x128xf32, #tpu.memory_space<hbm>> -> memref<1x64x128xf32, #tpu.memory_space<hbm>>
      %dma_wait3A_87 = tpu.memref_squeeze %dma_wait3A_86 : memref<1x64x128xf32, #tpu.memory_space<hbm>> -> memref<64x128xf32, #tpu.memory_space<hbm>>
      %dma_wait3A_88 = arith.constant 0 : i32
      %dma_wait3A_89 = tpu.memref_slice %arg8[%arg0, %add3A_66, %dma_wait3A_88] : memref<2x10240x128xf32, #tpu.memory_space<hbm>> -> memref<1x64x128xf32, #tpu.memory_space<hbm>>
      %dma_wait3A_90 = tpu.memref_squeeze %dma_wait3A_89 : memref<1x64x128xf32, #tpu.memory_space<hbm>> -> memref<64x128xf32, #tpu.memory_space<hbm>>
      tpu.wait_dma2 semaphore(%run_scoped3A : memref<!tpu.dma_semaphore, #tpu.memory_space<semaphore_mem>>) src(%arg14 : memref<64x128xf32, #tpu.memory_space<vmem>>) dst(%dma_wait3A_90 : memref<64x128xf32, #tpu.memory_space<hbm>>)
      tpu.yield
    }) : () -> ()
    %add3A_67 = arith.constant 512 : i32
    %add3A_68 = arith.addi %mul3A_2, %add3A_67 : i32
    "tpu.region"() ({
      %run_scoped3A = tpu.sem_alloc : memref<!tpu.dma_semaphore, #tpu.memory_space<semaphore_mem>>
      %dma_start3A = arith.constant 0 : i32
      %dma_start3A_81 = tpu.memref_slice %arg16[%add3A_68, %dma_start3A] : memref<10240x128xf32, #tpu.memory_space<vmem_shared>> -> memref<64x128xf32, #tpu.memory_space<vmem_shared>>
      %dma_start3A_82 = arith.constant 0 : i32
      %dma_start3A_83 = tpu.memref_slice %arg16[%add3A_68, %dma_start3A_82] : memref<10240x128xf32, #tpu.memory_space<vmem_shared>> -> memref<64x128xf32, #tpu.memory_space<vmem_shared>>
      tpu.enqueue_dma source(%dma_start3A_83 : memref<64x128xf32, #tpu.memory_space<vmem_shared>>) target(%arg14 : memref<64x128xf32, #tpu.memory_space<vmem>>) target_semaphore(%run_scoped3A : memref<!tpu.dma_semaphore, #tpu.memory_space<semaphore_mem>>)
      %dma_wait3A = arith.constant 0 : i32
      %dma_wait3A_84 = tpu.memref_slice %arg16[%add3A_68, %dma_wait3A] : memref<10240x128xf32, #tpu.memory_space<vmem_shared>> -> memref<64x128xf32, #tpu.memory_space<vmem_shared>>
      %dma_wait3A_85 = arith.constant 0 : i32
      %dma_wait3A_86 = tpu.memref_slice %arg16[%add3A_68, %dma_wait3A_85] : memref<10240x128xf32, #tpu.memory_space<vmem_shared>> -> memref<64x128xf32, #tpu.memory_space<vmem_shared>>
      tpu.wait_dma2 semaphore(%run_scoped3A : memref<!tpu.dma_semaphore, #tpu.memory_space<semaphore_mem>>) src(%dma_wait3A_86 : memref<64x128xf32, #tpu.memory_space<vmem_shared>>) dst(%arg14 : memref<64x128xf32, #tpu.memory_space<vmem>>)
      tpu.yield
    }) : () -> ()
    "tpu.region"() ({
      %run_scoped3A = tpu.sem_alloc : memref<!tpu.dma_semaphore, #tpu.memory_space<semaphore_mem>>
      %dma_start3A = arith.constant 0 : i32
      %dma_start3A_81 = tpu.memref_slice %arg8[%arg0, %add3A_68, %dma_start3A] : memref<2x10240x128xf32, #tpu.memory_space<hbm>> -> memref<1x64x128xf32, #tpu.memory_space<hbm>>
      %dma_start3A_82 = tpu.memref_squeeze %dma_start3A_81 : memref<1x64x128xf32, #tpu.memory_space<hbm>> -> memref<64x128xf32, #tpu.memory_space<hbm>>
      %dma_start3A_83 = arith.constant 0 : i32
      %dma_start3A_84 = tpu.memref_slice %arg8[%arg0, %add3A_68, %dma_start3A_83] : memref<2x10240x128xf32, #tpu.memory_space<hbm>> -> memref<1x64x128xf32, #tpu.memory_space<hbm>>
      %dma_start3A_85 = tpu.memref_squeeze %dma_start3A_84 : memref<1x64x128xf32, #tpu.memory_space<hbm>> -> memref<64x128xf32, #tpu.memory_space<hbm>>
      tpu.enqueue_dma source(%arg14 : memref<64x128xf32, #tpu.memory_space<vmem>>) target(%dma_start3A_85 : memref<64x128xf32, #tpu.memory_space<hbm>>) target_semaphore(%run_scoped3A : memref<!tpu.dma_semaphore, #tpu.memory_space<semaphore_mem>>)
      %dma_wait3A = arith.constant 0 : i32
      %dma_wait3A_86 = tpu.memref_slice %arg8[%arg0, %add3A_68, %dma_wait3A] : memref<2x10240x128xf32, #tpu.memory_space<hbm>> -> memref<1x64x128xf32, #tpu.memory_space<hbm>>
      %dma_wait3A_87 = tpu.memref_squeeze %dma_wait3A_86 : memref<1x64x128xf32, #tpu.memory_space<hbm>> -> memref<64x128xf32, #tpu.memory_space<hbm>>
      %dma_wait3A_88 = arith.constant 0 : i32
      %dma_wait3A_89 = tpu.memref_slice %arg8[%arg0, %add3A_68, %dma_wait3A_88] : memref<2x10240x128xf32, #tpu.memory_space<hbm>> -> memref<1x64x128xf32, #tpu.memory_space<hbm>>
      %dma_wait3A_90 = tpu.memref_squeeze %dma_wait3A_89 : memref<1x64x128xf32, #tpu.memory_space<hbm>> -> memref<64x128xf32, #tpu.memory_space<hbm>>
      tpu.wait_dma2 semaphore(%run_scoped3A : memref<!tpu.dma_semaphore, #tpu.memory_space<semaphore_mem>>) src(%arg14 : memref<64x128xf32, #tpu.memory_space<vmem>>) dst(%dma_wait3A_90 : memref<64x128xf32, #tpu.memory_space<hbm>>)
      tpu.yield
    }) : () -> ()
    %add3A_69 = arith.constant 576 : i32
    %add3A_70 = arith.addi %mul3A_2, %add3A_69 : i32
    "tpu.region"() ({
      %run_scoped3A = tpu.sem_alloc : memref<!tpu.dma_semaphore, #tpu.memory_space<semaphore_mem>>
      %dma_start3A = arith.constant 0 : i32
      %dma_start3A_81 = tpu.memref_slice %arg16[%add3A_70, %dma_start3A] : memref<10240x128xf32, #tpu.memory_space<vmem_shared>> -> memref<64x128xf32, #tpu.memory_space<vmem_shared>>
      %dma_start3A_82 = arith.constant 0 : i32
      %dma_start3A_83 = tpu.memref_slice %arg16[%add3A_70, %dma_start3A_82] : memref<10240x128xf32, #tpu.memory_space<vmem_shared>> -> memref<64x128xf32, #tpu.memory_space<vmem_shared>>
      tpu.enqueue_dma source(%dma_start3A_83 : memref<64x128xf32, #tpu.memory_space<vmem_shared>>) target(%arg14 : memref<64x128xf32, #tpu.memory_space<vmem>>) target_semaphore(%run_scoped3A : memref<!tpu.dma_semaphore, #tpu.memory_space<semaphore_mem>>)
      %dma_wait3A = arith.constant 0 : i32
      %dma_wait3A_84 = tpu.memref_slice %arg16[%add3A_70, %dma_wait3A] : memref<10240x128xf32, #tpu.memory_space<vmem_shared>> -> memref<64x128xf32, #tpu.memory_space<vmem_shared>>
      %dma_wait3A_85 = arith.constant 0 : i32
      %dma_wait3A_86 = tpu.memref_slice %arg16[%add3A_70, %dma_wait3A_85] : memref<10240x128xf32, #tpu.memory_space<vmem_shared>> -> memref<64x128xf32, #tpu.memory_space<vmem_shared>>
      tpu.wait_dma2 semaphore(%run_scoped3A : memref<!tpu.dma_semaphore, #tpu.memory_space<semaphore_mem>>) src(%dma_wait3A_86 : memref<64x128xf32, #tpu.memory_space<vmem_shared>>) dst(%arg14 : memref<64x128xf32, #tpu.memory_space<vmem>>)
      tpu.yield
    }) : () -> ()
    "tpu.region"() ({
      %run_scoped3A = tpu.sem_alloc : memref<!tpu.dma_semaphore, #tpu.memory_space<semaphore_mem>>
      %dma_start3A = arith.constant 0 : i32
      %dma_start3A_81 = tpu.memref_slice %arg8[%arg0, %add3A_70, %dma_start3A] : memref<2x10240x128xf32, #tpu.memory_space<hbm>> -> memref<1x64x128xf32, #tpu.memory_space<hbm>>
      %dma_start3A_82 = tpu.memref_squeeze %dma_start3A_81 : memref<1x64x128xf32, #tpu.memory_space<hbm>> -> memref<64x128xf32, #tpu.memory_space<hbm>>
      %dma_start3A_83 = arith.constant 0 : i32
      %dma_start3A_84 = tpu.memref_slice %arg8[%arg0, %add3A_70, %dma_start3A_83] : memref<2x10240x128xf32, #tpu.memory_space<hbm>> -> memref<1x64x128xf32, #tpu.memory_space<hbm>>
      %dma_start3A_85 = tpu.memref_squeeze %dma_start3A_84 : memref<1x64x128xf32, #tpu.memory_space<hbm>> -> memref<64x128xf32, #tpu.memory_space<hbm>>
      tpu.enqueue_dma source(%arg14 : memref<64x128xf32, #tpu.memory_space<vmem>>) target(%dma_start3A_85 : memref<64x128xf32, #tpu.memory_space<hbm>>) target_semaphore(%run_scoped3A : memref<!tpu.dma_semaphore, #tpu.memory_space<semaphore_mem>>)
      %dma_wait3A = arith.constant 0 : i32
      %dma_wait3A_86 = tpu.memref_slice %arg8[%arg0, %add3A_70, %dma_wait3A] : memref<2x10240x128xf32, #tpu.memory_space<hbm>> -> memref<1x64x128xf32, #tpu.memory_space<hbm>>
      %dma_wait3A_87 = tpu.memref_squeeze %dma_wait3A_86 : memref<1x64x128xf32, #tpu.memory_space<hbm>> -> memref<64x128xf32, #tpu.memory_space<hbm>>
      %dma_wait3A_88 = arith.constant 0 : i32
      %dma_wait3A_89 = tpu.memref_slice %arg8[%arg0, %add3A_70, %dma_wait3A_88] : memref<2x10240x128xf32, #tpu.memory_space<hbm>> -> memref<1x64x128xf32, #tpu.memory_space<hbm>>
      %dma_wait3A_90 = tpu.memref_squeeze %dma_wait3A_89 : memref<1x64x128xf32, #tpu.memory_space<hbm>> -> memref<64x128xf32, #tpu.memory_space<hbm>>
      tpu.wait_dma2 semaphore(%run_scoped3A : memref<!tpu.dma_semaphore, #tpu.memory_space<semaphore_mem>>) src(%arg14 : memref<64x128xf32, #tpu.memory_space<vmem>>) dst(%dma_wait3A_90 : memref<64x128xf32, #tpu.memory_space<hbm>>)
      tpu.yield
    }) : () -> ()
    %add3A_71 = arith.constant 0 : i32
    %add3A_72 = arith.addi %mul3A_2, %add3A_71 : i32
    "tpu.region"() ({
      %run_scoped3A = tpu.sem_alloc : memref<!tpu.dma_semaphore, #tpu.memory_space<semaphore_mem>>
      %dma_start3A = arith.constant 0 : i32
      %dma_start3A_81 = tpu.memref_slice %arg17[%add3A_72, %dma_start3A] : memref<10240x16xf32, #tpu.memory_space<vmem_shared>> -> memref<128x16xf32, #tpu.memory_space<vmem_shared>>
      %dma_start3A_82 = arith.constant 0 : i32
      %dma_start3A_83 = tpu.memref_slice %arg17[%add3A_72, %dma_start3A_82] : memref<10240x16xf32, #tpu.memory_space<vmem_shared>> -> memref<128x16xf32, #tpu.memory_space<vmem_shared>>
      tpu.enqueue_dma source(%dma_start3A_83 : memref<128x16xf32, #tpu.memory_space<vmem_shared>>) target(%arg15 : memref<128x16xf32, #tpu.memory_space<vmem>>) target_semaphore(%run_scoped3A : memref<!tpu.dma_semaphore, #tpu.memory_space<semaphore_mem>>)
      %dma_wait3A = arith.constant 0 : i32
      %dma_wait3A_84 = tpu.memref_slice %arg17[%add3A_72, %dma_wait3A] : memref<10240x16xf32, #tpu.memory_space<vmem_shared>> -> memref<128x16xf32, #tpu.memory_space<vmem_shared>>
      %dma_wait3A_85 = arith.constant 0 : i32
      %dma_wait3A_86 = tpu.memref_slice %arg17[%add3A_72, %dma_wait3A_85] : memref<10240x16xf32, #tpu.memory_space<vmem_shared>> -> memref<128x16xf32, #tpu.memory_space<vmem_shared>>
      tpu.wait_dma2 semaphore(%run_scoped3A : memref<!tpu.dma_semaphore, #tpu.memory_space<semaphore_mem>>) src(%dma_wait3A_86 : memref<128x16xf32, #tpu.memory_space<vmem_shared>>) dst(%arg15 : memref<128x16xf32, #tpu.memory_space<vmem>>)
      tpu.yield
    }) : () -> ()
    "tpu.region"() ({
      %run_scoped3A = tpu.sem_alloc : memref<!tpu.dma_semaphore, #tpu.memory_space<semaphore_mem>>
      %dma_start3A = arith.constant 0 : i32
      %dma_start3A_81 = tpu.memref_slice %arg9[%arg0, %add3A_72, %dma_start3A] : memref<2x10240x16xf32, #tpu.memory_space<hbm>> -> memref<1x128x16xf32, #tpu.memory_space<hbm>>
      %dma_start3A_82 = tpu.memref_squeeze %dma_start3A_81 : memref<1x128x16xf32, #tpu.memory_space<hbm>> -> memref<128x16xf32, #tpu.memory_space<hbm>>
      %dma_start3A_83 = arith.constant 0 : i32
      %dma_start3A_84 = tpu.memref_slice %arg9[%arg0, %add3A_72, %dma_start3A_83] : memref<2x10240x16xf32, #tpu.memory_space<hbm>> -> memref<1x128x16xf32, #tpu.memory_space<hbm>>
      %dma_start3A_85 = tpu.memref_squeeze %dma_start3A_84 : memref<1x128x16xf32, #tpu.memory_space<hbm>> -> memref<128x16xf32, #tpu.memory_space<hbm>>
      tpu.enqueue_dma source(%arg15 : memref<128x16xf32, #tpu.memory_space<vmem>>) target(%dma_start3A_85 : memref<128x16xf32, #tpu.memory_space<hbm>>) target_semaphore(%run_scoped3A : memref<!tpu.dma_semaphore, #tpu.memory_space<semaphore_mem>>)
      %dma_wait3A = arith.constant 0 : i32
      %dma_wait3A_86 = tpu.memref_slice %arg9[%arg0, %add3A_72, %dma_wait3A] : memref<2x10240x16xf32, #tpu.memory_space<hbm>> -> memref<1x128x16xf32, #tpu.memory_space<hbm>>
      %dma_wait3A_87 = tpu.memref_squeeze %dma_wait3A_86 : memref<1x128x16xf32, #tpu.memory_space<hbm>> -> memref<128x16xf32, #tpu.memory_space<hbm>>
      %dma_wait3A_88 = arith.constant 0 : i32
      %dma_wait3A_89 = tpu.memref_slice %arg9[%arg0, %add3A_72, %dma_wait3A_88] : memref<2x10240x16xf32, #tpu.memory_space<hbm>> -> memref<1x128x16xf32, #tpu.memory_space<hbm>>
      %dma_wait3A_90 = tpu.memref_squeeze %dma_wait3A_89 : memref<1x128x16xf32, #tpu.memory_space<hbm>> -> memref<128x16xf32, #tpu.memory_space<hbm>>
      tpu.wait_dma2 semaphore(%run_scoped3A : memref<!tpu.dma_semaphore, #tpu.memory_space<semaphore_mem>>) src(%arg15 : memref<128x16xf32, #tpu.memory_space<vmem>>) dst(%dma_wait3A_90 : memref<128x16xf32, #tpu.memory_space<hbm>>)
      tpu.yield
    }) : () -> ()
    %add3A_73 = arith.constant 128 : i32
    %add3A_74 = arith.addi %mul3A_2, %add3A_73 : i32
    "tpu.region"() ({
      %run_scoped3A = tpu.sem_alloc : memref<!tpu.dma_semaphore, #tpu.memory_space<semaphore_mem>>
      %dma_start3A = arith.constant 0 : i32
      %dma_start3A_81 = tpu.memref_slice %arg17[%add3A_74, %dma_start3A] : memref<10240x16xf32, #tpu.memory_space<vmem_shared>> -> memref<128x16xf32, #tpu.memory_space<vmem_shared>>
      %dma_start3A_82 = arith.constant 0 : i32
      %dma_start3A_83 = tpu.memref_slice %arg17[%add3A_74, %dma_start3A_82] : memref<10240x16xf32, #tpu.memory_space<vmem_shared>> -> memref<128x16xf32, #tpu.memory_space<vmem_shared>>
      tpu.enqueue_dma source(%dma_start3A_83 : memref<128x16xf32, #tpu.memory_space<vmem_shared>>) target(%arg15 : memref<128x16xf32, #tpu.memory_space<vmem>>) target_semaphore(%run_scoped3A : memref<!tpu.dma_semaphore, #tpu.memory_space<semaphore_mem>>)
      %dma_wait3A = arith.constant 0 : i32
      %dma_wait3A_84 = tpu.memref_slice %arg17[%add3A_74, %dma_wait3A] : memref<10240x16xf32, #tpu.memory_space<vmem_shared>> -> memref<128x16xf32, #tpu.memory_space<vmem_shared>>
      %dma_wait3A_85 = arith.constant 0 : i32
      %dma_wait3A_86 = tpu.memref_slice %arg17[%add3A_74, %dma_wait3A_85] : memref<10240x16xf32, #tpu.memory_space<vmem_shared>> -> memref<128x16xf32, #tpu.memory_space<vmem_shared>>
      tpu.wait_dma2 semaphore(%run_scoped3A : memref<!tpu.dma_semaphore, #tpu.memory_space<semaphore_mem>>) src(%dma_wait3A_86 : memref<128x16xf32, #tpu.memory_space<vmem_shared>>) dst(%arg15 : memref<128x16xf32, #tpu.memory_space<vmem>>)
      tpu.yield
    }) : () -> ()
    "tpu.region"() ({
      %run_scoped3A = tpu.sem_alloc : memref<!tpu.dma_semaphore, #tpu.memory_space<semaphore_mem>>
      %dma_start3A = arith.constant 0 : i32
      %dma_start3A_81 = tpu.memref_slice %arg9[%arg0, %add3A_74, %dma_start3A] : memref<2x10240x16xf32, #tpu.memory_space<hbm>> -> memref<1x128x16xf32, #tpu.memory_space<hbm>>
      %dma_start3A_82 = tpu.memref_squeeze %dma_start3A_81 : memref<1x128x16xf32, #tpu.memory_space<hbm>> -> memref<128x16xf32, #tpu.memory_space<hbm>>
      %dma_start3A_83 = arith.constant 0 : i32
      %dma_start3A_84 = tpu.memref_slice %arg9[%arg0, %add3A_74, %dma_start3A_83] : memref<2x10240x16xf32, #tpu.memory_space<hbm>> -> memref<1x128x16xf32, #tpu.memory_space<hbm>>
      %dma_start3A_85 = tpu.memref_squeeze %dma_start3A_84 : memref<1x128x16xf32, #tpu.memory_space<hbm>> -> memref<128x16xf32, #tpu.memory_space<hbm>>
      tpu.enqueue_dma source(%arg15 : memref<128x16xf32, #tpu.memory_space<vmem>>) target(%dma_start3A_85 : memref<128x16xf32, #tpu.memory_space<hbm>>) target_semaphore(%run_scoped3A : memref<!tpu.dma_semaphore, #tpu.memory_space<semaphore_mem>>)
      %dma_wait3A = arith.constant 0 : i32
      %dma_wait3A_86 = tpu.memref_slice %arg9[%arg0, %add3A_74, %dma_wait3A] : memref<2x10240x16xf32, #tpu.memory_space<hbm>> -> memref<1x128x16xf32, #tpu.memory_space<hbm>>
      %dma_wait3A_87 = tpu.memref_squeeze %dma_wait3A_86 : memref<1x128x16xf32, #tpu.memory_space<hbm>> -> memref<128x16xf32, #tpu.memory_space<hbm>>
      %dma_wait3A_88 = arith.constant 0 : i32
      %dma_wait3A_89 = tpu.memref_slice %arg9[%arg0, %add3A_74, %dma_wait3A_88] : memref<2x10240x16xf32, #tpu.memory_space<hbm>> -> memref<1x128x16xf32, #tpu.memory_space<hbm>>
      %dma_wait3A_90 = tpu.memref_squeeze %dma_wait3A_89 : memref<1x128x16xf32, #tpu.memory_space<hbm>> -> memref<128x16xf32, #tpu.memory_space<hbm>>
      tpu.wait_dma2 semaphore(%run_scoped3A : memref<!tpu.dma_semaphore, #tpu.memory_space<semaphore_mem>>) src(%arg15 : memref<128x16xf32, #tpu.memory_space<vmem>>) dst(%dma_wait3A_90 : memref<128x16xf32, #tpu.memory_space<hbm>>)
      tpu.yield
    }) : () -> ()
    %add3A_75 = arith.constant 256 : i32
    %add3A_76 = arith.addi %mul3A_2, %add3A_75 : i32
    "tpu.region"() ({
      %run_scoped3A = tpu.sem_alloc : memref<!tpu.dma_semaphore, #tpu.memory_space<semaphore_mem>>
      %dma_start3A = arith.constant 0 : i32
      %dma_start3A_81 = tpu.memref_slice %arg17[%add3A_76, %dma_start3A] : memref<10240x16xf32, #tpu.memory_space<vmem_shared>> -> memref<128x16xf32, #tpu.memory_space<vmem_shared>>
      %dma_start3A_82 = arith.constant 0 : i32
      %dma_start3A_83 = tpu.memref_slice %arg17[%add3A_76, %dma_start3A_82] : memref<10240x16xf32, #tpu.memory_space<vmem_shared>> -> memref<128x16xf32, #tpu.memory_space<vmem_shared>>
      tpu.enqueue_dma source(%dma_start3A_83 : memref<128x16xf32, #tpu.memory_space<vmem_shared>>) target(%arg15 : memref<128x16xf32, #tpu.memory_space<vmem>>) target_semaphore(%run_scoped3A : memref<!tpu.dma_semaphore, #tpu.memory_space<semaphore_mem>>)
      %dma_wait3A = arith.constant 0 : i32
      %dma_wait3A_84 = tpu.memref_slice %arg17[%add3A_76, %dma_wait3A] : memref<10240x16xf32, #tpu.memory_space<vmem_shared>> -> memref<128x16xf32, #tpu.memory_space<vmem_shared>>
      %dma_wait3A_85 = arith.constant 0 : i32
      %dma_wait3A_86 = tpu.memref_slice %arg17[%add3A_76, %dma_wait3A_85] : memref<10240x16xf32, #tpu.memory_space<vmem_shared>> -> memref<128x16xf32, #tpu.memory_space<vmem_shared>>
      tpu.wait_dma2 semaphore(%run_scoped3A : memref<!tpu.dma_semaphore, #tpu.memory_space<semaphore_mem>>) src(%dma_wait3A_86 : memref<128x16xf32, #tpu.memory_space<vmem_shared>>) dst(%arg15 : memref<128x16xf32, #tpu.memory_space<vmem>>)
      tpu.yield
    }) : () -> ()
    "tpu.region"() ({
      %run_scoped3A = tpu.sem_alloc : memref<!tpu.dma_semaphore, #tpu.memory_space<semaphore_mem>>
      %dma_start3A = arith.constant 0 : i32
      %dma_start3A_81 = tpu.memref_slice %arg9[%arg0, %add3A_76, %dma_start3A] : memref<2x10240x16xf32, #tpu.memory_space<hbm>> -> memref<1x128x16xf32, #tpu.memory_space<hbm>>
      %dma_start3A_82 = tpu.memref_squeeze %dma_start3A_81 : memref<1x128x16xf32, #tpu.memory_space<hbm>> -> memref<128x16xf32, #tpu.memory_space<hbm>>
      %dma_start3A_83 = arith.constant 0 : i32
      %dma_start3A_84 = tpu.memref_slice %arg9[%arg0, %add3A_76, %dma_start3A_83] : memref<2x10240x16xf32, #tpu.memory_space<hbm>> -> memref<1x128x16xf32, #tpu.memory_space<hbm>>
      %dma_start3A_85 = tpu.memref_squeeze %dma_start3A_84 : memref<1x128x16xf32, #tpu.memory_space<hbm>> -> memref<128x16xf32, #tpu.memory_space<hbm>>
      tpu.enqueue_dma source(%arg15 : memref<128x16xf32, #tpu.memory_space<vmem>>) target(%dma_start3A_85 : memref<128x16xf32, #tpu.memory_space<hbm>>) target_semaphore(%run_scoped3A : memref<!tpu.dma_semaphore, #tpu.memory_space<semaphore_mem>>)
      %dma_wait3A = arith.constant 0 : i32
      %dma_wait3A_86 = tpu.memref_slice %arg9[%arg0, %add3A_76, %dma_wait3A] : memref<2x10240x16xf32, #tpu.memory_space<hbm>> -> memref<1x128x16xf32, #tpu.memory_space<hbm>>
      %dma_wait3A_87 = tpu.memref_squeeze %dma_wait3A_86 : memref<1x128x16xf32, #tpu.memory_space<hbm>> -> memref<128x16xf32, #tpu.memory_space<hbm>>
      %dma_wait3A_88 = arith.constant 0 : i32
      %dma_wait3A_89 = tpu.memref_slice %arg9[%arg0, %add3A_76, %dma_wait3A_88] : memref<2x10240x16xf32, #tpu.memory_space<hbm>> -> memref<1x128x16xf32, #tpu.memory_space<hbm>>
      %dma_wait3A_90 = tpu.memref_squeeze %dma_wait3A_89 : memref<1x128x16xf32, #tpu.memory_space<hbm>> -> memref<128x16xf32, #tpu.memory_space<hbm>>
      tpu.wait_dma2 semaphore(%run_scoped3A : memref<!tpu.dma_semaphore, #tpu.memory_space<semaphore_mem>>) src(%arg15 : memref<128x16xf32, #tpu.memory_space<vmem>>) dst(%dma_wait3A_90 : memref<128x16xf32, #tpu.memory_space<hbm>>)
      tpu.yield
    }) : () -> ()
    %add3A_77 = arith.constant 384 : i32
    %add3A_78 = arith.addi %mul3A_2, %add3A_77 : i32
    "tpu.region"() ({
      %run_scoped3A = tpu.sem_alloc : memref<!tpu.dma_semaphore, #tpu.memory_space<semaphore_mem>>
      %dma_start3A = arith.constant 0 : i32
      %dma_start3A_81 = tpu.memref_slice %arg17[%add3A_78, %dma_start3A] : memref<10240x16xf32, #tpu.memory_space<vmem_shared>> -> memref<128x16xf32, #tpu.memory_space<vmem_shared>>
      %dma_start3A_82 = arith.constant 0 : i32
      %dma_start3A_83 = tpu.memref_slice %arg17[%add3A_78, %dma_start3A_82] : memref<10240x16xf32, #tpu.memory_space<vmem_shared>> -> memref<128x16xf32, #tpu.memory_space<vmem_shared>>
      tpu.enqueue_dma source(%dma_start3A_83 : memref<128x16xf32, #tpu.memory_space<vmem_shared>>) target(%arg15 : memref<128x16xf32, #tpu.memory_space<vmem>>) target_semaphore(%run_scoped3A : memref<!tpu.dma_semaphore, #tpu.memory_space<semaphore_mem>>)
      %dma_wait3A = arith.constant 0 : i32
      %dma_wait3A_84 = tpu.memref_slice %arg17[%add3A_78, %dma_wait3A] : memref<10240x16xf32, #tpu.memory_space<vmem_shared>> -> memref<128x16xf32, #tpu.memory_space<vmem_shared>>
      %dma_wait3A_85 = arith.constant 0 : i32
      %dma_wait3A_86 = tpu.memref_slice %arg17[%add3A_78, %dma_wait3A_85] : memref<10240x16xf32, #tpu.memory_space<vmem_shared>> -> memref<128x16xf32, #tpu.memory_space<vmem_shared>>
      tpu.wait_dma2 semaphore(%run_scoped3A : memref<!tpu.dma_semaphore, #tpu.memory_space<semaphore_mem>>) src(%dma_wait3A_86 : memref<128x16xf32, #tpu.memory_space<vmem_shared>>) dst(%arg15 : memref<128x16xf32, #tpu.memory_space<vmem>>)
      tpu.yield
    }) : () -> ()
    "tpu.region"() ({
      %run_scoped3A = tpu.sem_alloc : memref<!tpu.dma_semaphore, #tpu.memory_space<semaphore_mem>>
      %dma_start3A = arith.constant 0 : i32
      %dma_start3A_81 = tpu.memref_slice %arg9[%arg0, %add3A_78, %dma_start3A] : memref<2x10240x16xf32, #tpu.memory_space<hbm>> -> memref<1x128x16xf32, #tpu.memory_space<hbm>>
      %dma_start3A_82 = tpu.memref_squeeze %dma_start3A_81 : memref<1x128x16xf32, #tpu.memory_space<hbm>> -> memref<128x16xf32, #tpu.memory_space<hbm>>
      %dma_start3A_83 = arith.constant 0 : i32
      %dma_start3A_84 = tpu.memref_slice %arg9[%arg0, %add3A_78, %dma_start3A_83] : memref<2x10240x16xf32, #tpu.memory_space<hbm>> -> memref<1x128x16xf32, #tpu.memory_space<hbm>>
      %dma_start3A_85 = tpu.memref_squeeze %dma_start3A_84 : memref<1x128x16xf32, #tpu.memory_space<hbm>> -> memref<128x16xf32, #tpu.memory_space<hbm>>
      tpu.enqueue_dma source(%arg15 : memref<128x16xf32, #tpu.memory_space<vmem>>) target(%dma_start3A_85 : memref<128x16xf32, #tpu.memory_space<hbm>>) target_semaphore(%run_scoped3A : memref<!tpu.dma_semaphore, #tpu.memory_space<semaphore_mem>>)
      %dma_wait3A = arith.constant 0 : i32
      %dma_wait3A_86 = tpu.memref_slice %arg9[%arg0, %add3A_78, %dma_wait3A] : memref<2x10240x16xf32, #tpu.memory_space<hbm>> -> memref<1x128x16xf32, #tpu.memory_space<hbm>>
      %dma_wait3A_87 = tpu.memref_squeeze %dma_wait3A_86 : memref<1x128x16xf32, #tpu.memory_space<hbm>> -> memref<128x16xf32, #tpu.memory_space<hbm>>
      %dma_wait3A_88 = arith.constant 0 : i32
      %dma_wait3A_89 = tpu.memref_slice %arg9[%arg0, %add3A_78, %dma_wait3A_88] : memref<2x10240x16xf32, #tpu.memory_space<hbm>> -> memref<1x128x16xf32, #tpu.memory_space<hbm>>
      %dma_wait3A_90 = tpu.memref_squeeze %dma_wait3A_89 : memref<1x128x16xf32, #tpu.memory_space<hbm>> -> memref<128x16xf32, #tpu.memory_space<hbm>>
      tpu.wait_dma2 semaphore(%run_scoped3A : memref<!tpu.dma_semaphore, #tpu.memory_space<semaphore_mem>>) src(%arg15 : memref<128x16xf32, #tpu.memory_space<vmem>>) dst(%dma_wait3A_90 : memref<128x16xf32, #tpu.memory_space<hbm>>)
      tpu.yield
    }) : () -> ()
    %add3A_79 = arith.constant 512 : i32
    %add3A_80 = arith.addi %mul3A_2, %add3A_79 : i32
    "tpu.region"() ({
      %run_scoped3A = tpu.sem_alloc : memref<!tpu.dma_semaphore, #tpu.memory_space<semaphore_mem>>
      %dma_start3A = arith.constant 0 : i32
      %dma_start3A_81 = tpu.memref_slice %arg17[%add3A_80, %dma_start3A] : memref<10240x16xf32, #tpu.memory_space<vmem_shared>> -> memref<128x16xf32, #tpu.memory_space<vmem_shared>>
      %dma_start3A_82 = arith.constant 0 : i32
      %dma_start3A_83 = tpu.memref_slice %arg17[%add3A_80, %dma_start3A_82] : memref<10240x16xf32, #tpu.memory_space<vmem_shared>> -> memref<128x16xf32, #tpu.memory_space<vmem_shared>>
      tpu.enqueue_dma source(%dma_start3A_83 : memref<128x16xf32, #tpu.memory_space<vmem_shared>>) target(%arg15 : memref<128x16xf32, #tpu.memory_space<vmem>>) target_semaphore(%run_scoped3A : memref<!tpu.dma_semaphore, #tpu.memory_space<semaphore_mem>>)
      %dma_wait3A = arith.constant 0 : i32
      %dma_wait3A_84 = tpu.memref_slice %arg17[%add3A_80, %dma_wait3A] : memref<10240x16xf32, #tpu.memory_space<vmem_shared>> -> memref<128x16xf32, #tpu.memory_space<vmem_shared>>
      %dma_wait3A_85 = arith.constant 0 : i32
      %dma_wait3A_86 = tpu.memref_slice %arg17[%add3A_80, %dma_wait3A_85] : memref<10240x16xf32, #tpu.memory_space<vmem_shared>> -> memref<128x16xf32, #tpu.memory_space<vmem_shared>>
      tpu.wait_dma2 semaphore(%run_scoped3A : memref<!tpu.dma_semaphore, #tpu.memory_space<semaphore_mem>>) src(%dma_wait3A_86 : memref<128x16xf32, #tpu.memory_space<vmem_shared>>) dst(%arg15 : memref<128x16xf32, #tpu.memory_space<vmem>>)
      tpu.yield
    }) : () -> ()
    "tpu.region"() ({
      %run_scoped3A = tpu.sem_alloc : memref<!tpu.dma_semaphore, #tpu.memory_space<semaphore_mem>>
      %dma_start3A = arith.constant 0 : i32
      %dma_start3A_81 = tpu.memref_slice %arg9[%arg0, %add3A_80, %dma_start3A] : memref<2x10240x16xf32, #tpu.memory_space<hbm>> -> memref<1x128x16xf32, #tpu.memory_space<hbm>>
      %dma_start3A_82 = tpu.memref_squeeze %dma_start3A_81 : memref<1x128x16xf32, #tpu.memory_space<hbm>> -> memref<128x16xf32, #tpu.memory_space<hbm>>
      %dma_start3A_83 = arith.constant 0 : i32
      %dma_start3A_84 = tpu.memref_slice %arg9[%arg0, %add3A_80, %dma_start3A_83] : memref<2x10240x16xf32, #tpu.memory_space<hbm>> -> memref<1x128x16xf32, #tpu.memory_space<hbm>>
      %dma_start3A_85 = tpu.memref_squeeze %dma_start3A_84 : memref<1x128x16xf32, #tpu.memory_space<hbm>> -> memref<128x16xf32, #tpu.memory_space<hbm>>
      tpu.enqueue_dma source(%arg15 : memref<128x16xf32, #tpu.memory_space<vmem>>) target(%dma_start3A_85 : memref<128x16xf32, #tpu.memory_space<hbm>>) target_semaphore(%run_scoped3A : memref<!tpu.dma_semaphore, #tpu.memory_space<semaphore_mem>>)
      %dma_wait3A = arith.constant 0 : i32
      %dma_wait3A_86 = tpu.memref_slice %arg9[%arg0, %add3A_80, %dma_wait3A] : memref<2x10240x16xf32, #tpu.memory_space<hbm>> -> memref<1x128x16xf32, #tpu.memory_space<hbm>>
      %dma_wait3A_87 = tpu.memref_squeeze %dma_wait3A_86 : memref<1x128x16xf32, #tpu.memory_space<hbm>> -> memref<128x16xf32, #tpu.memory_space<hbm>>
      %dma_wait3A_88 = arith.constant 0 : i32
      %dma_wait3A_89 = tpu.memref_slice %arg9[%arg0, %add3A_80, %dma_wait3A_88] : memref<2x10240x16xf32, #tpu.memory_space<hbm>> -> memref<1x128x16xf32, #tpu.memory_space<hbm>>
      %dma_wait3A_90 = tpu.memref_squeeze %dma_wait3A_89 : memref<1x128x16xf32, #tpu.memory_space<hbm>> -> memref<128x16xf32, #tpu.memory_space<hbm>>
      tpu.wait_dma2 semaphore(%run_scoped3A : memref<!tpu.dma_semaphore, #tpu.memory_space<semaphore_mem>>) src(%arg15 : memref<128x16xf32, #tpu.memory_space<vmem>>) dst(%dma_wait3A_90 : memref<128x16xf32, #tpu.memory_space<hbm>>)
      tpu.yield
    }) : () -> ()
    return
  }
}

module attributes {stable_mosaic.version = 14 : i64} {
  func.func @_combine_body(%arg0: i32, %arg1: memref<2x1000x128xf32, #tpu.memory_space<vmem>>, %arg2: memref<2x1000x16xf32, #tpu.memory_space<vmem>>, %arg3: memref<1000x128xf32, #tpu.memory_space<vmem>>, %arg4: memref<128x128xf32, #tpu.memory_space<vmem>>, %arg5: memref<1x128xf32, #tpu.memory_space<vmem>>, %arg6: memref<1000x128xf32, #tpu.memory_space<vmem>>) attributes {dimension_semantics = [#tpu.dimension_semantics<arbitrary>], iteration_bounds = array<i64: 10>, scalar_prefetch = 0 : i64, scratch_operands = 0 : i64, tpu.core_type = #tpu.core_type<tc>, window_params = [{transform_indices = @transform_0, window_bounds = array<i64: 2, 1000, 128>}, {transform_indices = @transform_1, window_bounds = array<i64: 2, 1000, 16>}, {transform_indices = @transform_2, window_bounds = array<i64: 1000, 128>}, {pipeline_mode = #tpu.pipeline_mode<synchronous>, transform_indices = @transform_3, window_bounds = array<i64: 128, 128>}, {pipeline_mode = #tpu.pipeline_mode<synchronous>, transform_indices = @transform_4, window_bounds = array<i64: 1, 128>}, {transform_indices = @transform_5, window_bounds = array<i64: 1000, 128>}]} {
    %get3A = arith.constant 0 : index
    %get3A_0 = arith.constant 0 : index
    %get3A_1 = arith.constant 0 : index
    %get3A_2 = vector.load %arg1[%get3A, %get3A_0, %get3A_1] : memref<2x1000x128xf32, #tpu.memory_space<vmem>>, vector<1x1000x128xf32>
    %get3A_3 = vector.shape_cast %get3A_2 : vector<1x1000x128xf32> to vector<1000x128xf32>
    %get3A_4 = arith.constant 1 : index
    %get3A_5 = arith.constant 0 : index
    %get3A_6 = arith.constant 0 : index
    %get3A_7 = vector.load %arg1[%get3A_4, %get3A_5, %get3A_6] : memref<2x1000x128xf32, #tpu.memory_space<vmem>>, vector<1x1000x128xf32>
    %get3A_8 = vector.shape_cast %get3A_7 : vector<1x1000x128xf32> to vector<1000x128xf32>
    %add3A = arith.addf %get3A_3, %get3A_8 : vector<1000x128xf32>
    %get3A_9 = arith.constant 0 : index
    %get3A_10 = arith.constant 0 : index
    %get3A_11 = arith.constant 0 : index
    %get3A_12 = vector.load %arg2[%get3A_9, %get3A_10, %get3A_11] : memref<2x1000x16xf32, #tpu.memory_space<vmem>>, vector<1x1000x1xf32>
    %get3A_13 = vector.shape_cast %get3A_12 : vector<1x1000x1xf32> to vector<1000xf32>
    %get3A_14 = arith.constant 1 : index
    %get3A_15 = arith.constant 0 : index
    %get3A_16 = arith.constant 0 : index
    %get3A_17 = vector.load %arg2[%get3A_14, %get3A_15, %get3A_16] : memref<2x1000x16xf32, #tpu.memory_space<vmem>>, vector<1x1000x1xf32>
    %get3A_18 = vector.shape_cast %get3A_17 : vector<1x1000x1xf32> to vector<1000xf32>
    %add3A_19 = arith.addf %get3A_13, %get3A_18 : vector<1000xf32>
    %max3A = arith.constant 1.000000e+00 : f32
    %max3A_20 = vector.broadcast %max3A : f32 to vector<1000xf32>
    %max3A_21 = arith.maximumf %add3A_19, %max3A_20 : vector<1000xf32>
    %broadcast_in_dim3A = vector.shape_cast %max3A_21 : vector<1000xf32> to vector<1000x1xf32>
    %div3A = vector.broadcast %broadcast_in_dim3A : vector<1000x1xf32> to vector<1000x128xf32>
    %div3A_22 = arith.divf %add3A, %div3A : vector<1000x128xf32>
    %get3A_23 = arith.constant 0 : index
    %get3A_24 = arith.constant 0 : index
    %get3A_25 = vector.load %arg4[%get3A_23, %get3A_24] : memref<128x128xf32, #tpu.memory_space<vmem>>, vector<128x128xf32>
    %dot_general3A = arith.constant dense<0.000000e+00> : vector<1000x128xf32>
    %dot_general3A_26 = tpu.matmul %div3A_22, %get3A_25, %dot_general3A {dimension_numbers = #tpu.dot_dimension_numbers<[1], [0], [0], [1], [0, 0, 1, 1], [], []>, transpose_lhs_hint = false} : vector<1000x128xf32>, vector<128x128xf32>, vector<1000x128xf32> -> vector<1000x128xf32>
    %get3A_27 = arith.constant 0 : index
    %get3A_28 = arith.constant 0 : index
    %get3A_29 = vector.load %arg5[%get3A_27, %get3A_28] : memref<1x128xf32, #tpu.memory_space<vmem>>, vector<1x128xf32>
    %add3A_30 = vector.broadcast %get3A_29 : vector<1x128xf32> to vector<1000x128xf32>
    %add3A_31 = arith.addf %dot_general3A_26, %add3A_30 : vector<1000x128xf32>
    %get3A_32 = arith.constant 0 : index
    %get3A_33 = arith.constant 0 : index
    %get3A_34 = vector.load %arg3[%get3A_32, %get3A_33] : memref<1000x128xf32, #tpu.memory_space<vmem>>, vector<1000x128xf32>
    %add3A_35 = arith.addf %add3A_31, %get3A_34 : vector<1000x128xf32>
    %swap3A = arith.constant 0 : index
    %swap3A_36 = arith.constant 0 : index
    %swap3A_37 = vector.load %arg6[%swap3A, %swap3A_36] : memref<1000x128xf32, #tpu.memory_space<vmem>>, vector<1000x128xf32>
    tpu.vector_store %arg6[%swap3A, %swap3A_36], %add3A_35 {strides = array<i32>} : memref<1000x128xf32, #tpu.memory_space<vmem>>, vector<1000x128xf32>,
    return
  }
  func.func @transform_0(%arg0: i32) -> (i32, i32, i32) {
    %c0_i32 = arith.constant 0 : i32
    %c0_i32_0 = arith.constant 0 : i32
    %c0_i32_1 = arith.constant 0 : i32
    return %c0_i32, %arg0, %c0_i32_0 : i32, i32, i32
  }
  func.func @transform_1(%arg0: i32) -> (i32, i32, i32) {
    %c0_i32 = arith.constant 0 : i32
    %c0_i32_0 = arith.constant 0 : i32
    %c0_i32_1 = arith.constant 0 : i32
    return %c0_i32, %arg0, %c0_i32_0 : i32, i32, i32
  }
  func.func @transform_2(%arg0: i32) -> (i32, i32) {
    %c0_i32 = arith.constant 0 : i32
    %c0_i32_0 = arith.constant 0 : i32
    return %arg0, %c0_i32 : i32, i32
  }
  func.func @transform_3(%arg0: i32) -> (i32, i32) {
    %c0_i32 = arith.constant 0 : i32
    %c0_i32_0 = arith.constant 0 : i32
    %c0_i32_1 = arith.constant 0 : i32
    return %c0_i32, %c0_i32_0 : i32, i32
  }
  func.func @transform_4(%arg0: i32) -> (i32, i32) {
    %c0_i32 = arith.constant 0 : i32
    %c0_i32_0 = arith.constant 0 : i32
    %c0_i32_1 = arith.constant 0 : i32
    return %c0_i32, %c0_i32_0 : i32, i32
  }
  func.func @transform_5(%arg0: i32) -> (i32, i32) {
    %c0_i32 = arith.constant 0 : i32
    %c0_i32_0 = arith.constant 0 : i32
    return %arg0, %c0_i32 : i32, i32
  }
}

module attributes {stable_mosaic.version = 14 : i64} {
  func.func @_enc_body(%arg0: i32, %arg1: memref<1000x128xf32, #tpu.memory_space<vmem>>, %arg2: memref<128x128xf32, #tpu.memory_space<vmem>>, %arg3: memref<1x128xf32, #tpu.memory_space<vmem>>, %arg4: memref<128x128xf32, #tpu.memory_space<vmem>>, %arg5: memref<1000x128xf32, #tpu.memory_space<vmem>>, %arg6: memref<1000x128xf32, #tpu.memory_space<vmem>>) attributes {dimension_semantics = [#tpu.dimension_semantics<arbitrary>], iteration_bounds = array<i64: 10>, scalar_prefetch = 0 : i64, scratch_operands = 0 : i64, tpu.core_type = #tpu.core_type<tc>, window_params = [{transform_indices = @transform_0, window_bounds = array<i64: 1000, 128>}, {pipeline_mode = #tpu.pipeline_mode<synchronous>, transform_indices = @transform_1, window_bounds = array<i64: 128, 128>}, {pipeline_mode = #tpu.pipeline_mode<synchronous>, transform_indices = @transform_2, window_bounds = array<i64: 1, 128>}, {pipeline_mode = #tpu.pipeline_mode<synchronous>, transform_indices = @transform_3, window_bounds = array<i64: 128, 128>}, {transform_indices = @transform_4, window_bounds = array<i64: 1000, 128>}, {transform_indices = @transform_5, window_bounds = array<i64: 1000, 128>}]} {
    %get3A = arith.constant 0 : index
    %get3A_0 = arith.constant 0 : index
    %get3A_1 = vector.load %arg1[%get3A, %get3A_0] : memref<1000x128xf32, #tpu.memory_space<vmem>>, vector<1000x128xf32>
    %get3A_2 = arith.constant 0 : index
    %get3A_3 = arith.constant 0 : index
    %get3A_4 = vector.load %arg2[%get3A_2, %get3A_3] : memref<128x128xf32, #tpu.memory_space<vmem>>, vector<128x128xf32>
    %dot_general3A = arith.constant dense<0.000000e+00> : vector<1000x128xf32>
    %dot_general3A_5 = tpu.matmul %get3A_1, %get3A_4, %dot_general3A {dimension_numbers = #tpu.dot_dimension_numbers<[1], [0], [0], [1], [0, 0, 1, 1], [], []>, transpose_lhs_hint = false} : vector<1000x128xf32>, vector<128x128xf32>, vector<1000x128xf32> -> vector<1000x128xf32>
    %get3A_6 = arith.constant 0 : index
    %get3A_7 = arith.constant 0 : index
    %get3A_8 = vector.load %arg3[%get3A_6, %get3A_7] : memref<1x128xf32, #tpu.memory_space<vmem>>, vector<1x128xf32>
    %add3A = vector.broadcast %get3A_8 : vector<1x128xf32> to vector<1000x128xf32>
    %add3A_9 = arith.addf %dot_general3A_5, %add3A : vector<1000x128xf32>
    %max3A = arith.constant 0.000000e+00 : f32
    %max3A_10 = vector.broadcast %max3A : f32 to vector<1000x128xf32>
    %max3A_11 = arith.maximumf %add3A_9, %max3A_10 : vector<1000x128xf32>
    %swap3A = arith.constant 0 : index
    %swap3A_12 = arith.constant 0 : index
    %swap3A_13 = vector.load %arg5[%swap3A, %swap3A_12] : memref<1000x128xf32, #tpu.memory_space<vmem>>, vector<1000x128xf32>
    tpu.vector_store %arg5[%swap3A, %swap3A_12], %max3A_11 {strides = array<i32>} : memref<1000x128xf32, #tpu.memory_space<vmem>>, vector<1000x128xf32>,
    %get3A_14 = arith.constant 0 : index
    %get3A_15 = arith.constant 0 : index
    %get3A_16 = vector.load %arg4[%get3A_14, %get3A_15] : memref<128x128xf32, #tpu.memory_space<vmem>>, vector<128x128xf32>
    %dot_general3A_17 = arith.constant dense<0.000000e+00> : vector<1000x128xf32>
    %dot_general3A_18 = tpu.matmul %max3A_11, %get3A_16, %dot_general3A_17 {dimension_numbers = #tpu.dot_dimension_numbers<[1], [0], [0], [1], [0, 0, 1, 1], [], []>, transpose_lhs_hint = false} : vector<1000x128xf32>, vector<128x128xf32>, vector<1000x128xf32> -> vector<1000x128xf32>
    %swap3A_19 = arith.constant 0 : index
    %swap3A_20 = arith.constant 0 : index
    %swap3A_21 = vector.load %arg6[%swap3A_19, %swap3A_20] : memref<1000x128xf32, #tpu.memory_space<vmem>>, vector<1000x128xf32>
    tpu.vector_store %arg6[%swap3A_19, %swap3A_20], %dot_general3A_18 {strides = array<i32>} : memref<1000x128xf32, #tpu.memory_space<vmem>>, vector<1000x128xf32>,
    return
  }
  func.func @transform_0(%arg0: i32) -> (i32, i32) {
    %c0_i32 = arith.constant 0 : i32
    %c0_i32_0 = arith.constant 0 : i32
    return %arg0, %c0_i32 : i32, i32
  }
  func.func @transform_1(%arg0: i32) -> (i32, i32) {
    %c0_i32 = arith.constant 0 : i32
    %c0_i32_0 = arith.constant 0 : i32
    %c0_i32_1 = arith.constant 0 : i32
    return %c0_i32, %c0_i32_0 : i32, i32
  }
  func.func @transform_2(%arg0: i32) -> (i32, i32) {
    %c0_i32 = arith.constant 0 : i32
    %c0_i32_0 = arith.constant 0 : i32
    %c0_i32_1 = arith.constant 0 : i32
    return %c0_i32, %c0_i32_0 : i32, i32
  }
  func.func @transform_3(%arg0: i32) -> (i32, i32) {
    %c0_i32 = arith.constant 0 : i32
    %c0_i32_0 = arith.constant 0 : i32
    %c0_i32_1 = arith.constant 0 : i32
    return %c0_i32, %c0_i32_0 : i32, i32
  }
  func.func @transform_4(%arg0: i32) -> (i32, i32) {
    %c0_i32 = arith.constant 0 : i32
    %c0_i32_0 = arith.constant 0 : i32
    return %arg0, %c0_i32 : i32, i32
  }
  func.func @transform_5(%arg0: i32) -> (i32, i32) {
    %c0_i32 = arith.constant 0 : i32
    %c0_i32_0 = arith.constant 0 : i32
    return %arg0, %c0_i32 : i32, i32
  }
}

</mosaic_0001>

<sc_bundles>
// kernel: kernel.5.cloned.1.call-start
scs
__scs_entry_jumppad:
0x0: {  	(pc) =	sbr.rel $0x88, $3  }
0x1: {  	(tag) =	ssettag $0x0;
	lr =	simm.s32 $0x1  }
0x2: {  	[smem:$0x3F9A] =	sst lr;
	_ =	strace $0xD0000000  }
0x3: {  	_ = 	snop  }
0x4: {  	_ = 	snop  }
0x5: {  	_ = 	snop  }
0x6: {  	_ = 	snop  }
0x7: {  	_ = 	snop  }
__scs_overlays_trampoline_lowered:
0x8: {  	[smem:$0x3FA9] =	sst s0  }
0x9: {  	[smem:$0x3FAA] =	sst s1  }
0xa: {  	[smem:$0x3FAB] =	sst s2  }
0xb: {  	[smem:$0x3FAC] =	sst s3  }
0xc: {  	[smem:$0x3FAD] =	sst s4  }
0xd: {  	[smem:$0x3FAE] =	sst s5  }
0xe: {  	[smem:$0x3FAF] =	sst s6  }
0xf: {  	[smem:$0x3FB0] =	sst s7  }
0x10: {  	[smem:$0x3FB1] =	sst s8  }
0x11: {  	[smem:$0x3FB2] =	sst s9;
	s0 =	simm.s32 @!p0 $0x0  }
0x12: {  	s1 =	sld [smem:$0x3F98];
	s0 =	simm.s32 @p0 $0x1  }
0x13: {  	[smem:$0x3FB3] =	sst s0;
	s0 =	simm.s32 @!p1 $0x0  }
0x14: {  	s2 =	sld [smem:$0x3F97];
	s0 =	simm.s32 @p1 $0x1  }
0x15: {  	[smem:$0x3FB4] =	sst s0;
	s0 =	simm.s32 @!p2 $0x0  }
0x16: {  	s3 =	sld [smem:$0x3FDB];
	s0 =	simm.s32 @p2 $0x1  }
0x17: {  	s4 =	simm.s32 $0x1BF5;
	[smem:$0x3FB6] =	sst s0  }
0x18: {  	s0 =	sld [smem:$0x3F99];
	_ =	swait.ge [sflag:s4], $0x0  }
0x19: {  	s7 =	sld [smem:$0x3F9A]  }
0x1a: {  	s8 =	sadd.s32 $0xFFFFE003, lr  }
0x1b: {  	s9 =	sadd.s32 $0xFFFFFEF7, lr;
	s5 =	simm.s32 $0xFFFFFFFF;
	p2 =	slt.u32 s8, $0xFFFFF086  }
0x1c: {  	p1 =	slt.u32 s9, $0xF7A;
	s5 =	simm.s32 @!p2 $0x0  }
0x1d: {  	s5 =	simm.s32 @p1 $0x1;
	p0 =	seq.s32 s7, s2  }
0x1e: {  	s7 =	smul.u32 @!p0 $0xF7A, s2;
	p2 =	seq.s32 @!p0 s5, $0x0  }
0x1f: {  	s9 =	smul.u32 $0xF7A, s1;
	s8 =	simm.s32 @!p0 $0x1BF5;
	p2 =	por !p2, p0  }
0x20: {  	[sflag:s8] =	ssyncset.s32 @!p0 $0xFFFFF086;
	s6 =	sadd.s32 @!p0 s3, s7;
	s7 =	simm.s32 @!p0 $0x108  }
0x21: {  	s3 =	sadd.s32 s3, s9;
	s6 =	sadd.s32 @!p0 $0x88, s6;
	s7 =	simm.s32 @p2 $0x1082  }
0x22: {  	[simem:s7], [sflag:s8] =	dma.local @!p0 [hbm:s6], $0xF7A  }
0x23: {  	s9 =	sor.u32 $0xD0000000, s2;
	s6 =	simm.s32 $0x108;
	_ =	swait.ge @!p0 [sflag:s8], $0x0  }
0x24: {  	s3 =	sadd.s32 $0x88, s3;
	s6 =	simm.s32 @!p1 $0x1082;
	[sflag:s4] =	ssyncset.s32 $0xFFFFF086  }
0x25: {  	[simem:s6], [sflag:s4] =	dma.local [hbm:s3], $0xF7A  }
0x26: {  	[smem:$0x3F9A] =	sst s1;
	(tag) =	ssettag s2;
	_ =	strace s9  }
0x27: {  	s1 =	sld [smem:$0x3FAA]  }
0x28: {  	s2 =	sld [smem:$0x3FAB]  }
0x29: {  	s4 =	sld [smem:$0x3FAD]  }
0x2a: {  	p0 =	seq.s32 s5, $0x0;
	s5 =	sld [smem:$0x3FAE]  }
0x2b: {  	s6 =	sld [smem:$0x3FAF]  }
0x2c: {  	s7 =	sld [smem:$0x3FB0]  }
0x2d: {  	s3 =	simm.s32 $0x108;
	s8 =	sld [smem:$0x3FB1]  }
0x2e: {  	s3 =	simm.s32 @!p0 $0x1082;
	s9 =	sld [smem:$0x3FB2]  }
0x2f: {  	lr =	sadd.s32 s0, s3;
	s0 =	sld [smem:$0x3FA9]  }
0x30: {  	s3 =	sld [smem:$0x3FAC]  }
0x31: {  	[smem:$0x3FB5] =	sst s10  }
0x32: {  	s10 =	sld [smem:$0x3FB3];
	_ =	sdelay $0x3  }
0x33: {  	p0 =	seq.s32 s10, $0x1;
	s10 =	sld [smem:$0x3FB5];
	_ =	sdelay $0x3  }
0x34: {  	[smem:$0x3FB5] =	sst s10  }
0x35: {  	s10 =	sld [smem:$0x3FB4];
	_ =	sdelay $0x3  }
0x36: {  	p1 =	seq.s32 s10, $0x1;
	s10 =	sld [smem:$0x3FB5];
	_ =	sdelay $0x3  }
0x37: {  	[smem:$0x3FB5] =	sst s10  }
0x38: {  	s10 =	sld [smem:$0x3FB6]  }
0x39: {  	_ = 	snop;
	(pc) =	sbr.ind lr, $3  }
0x3a: {  	_ = 	snop  }
0x3b: {  	_ = 	snop  }
0x3c: {  	p2 =	seq.s32 s10, $0x1;
	s10 =	sld [smem:$0x3FB5]  }
0x3d: {  	_ =	shalt  }
0x3e: {  	_ =	shalt  }
0x3f: {  	_ =	shalt  }
0x40: {  	_ =	shalt  }
0x41: {  	_ =	shalt  }
0x42: {  	_ =	shalt  }
0x43: {  	_ =	shalt  }
0x44: {  	_ =	shalt  }
0x45: {  	_ =	shalt  }
0x46: {  	_ =	shalt  }
0x47: {  	_ =	shalt  }
0x48: {  	_ =	shalt  }
0x49: {  	_ =	shalt  }
0x4a: {  	_ =	shalt  }
0x4b: {  	_ =	shalt  }
0x4c: {  	_ =	shalt  }
0x4d: {  	_ =	shalt  }
0x4e: {  	_ =	shalt  }
0x4f: {  	_ =	shalt  }
0x50: {  	_ =	shalt  }
0x51: {  	_ =	shalt  }
0x52: {  	_ =	shalt  }
0x53: {  	_ =	shalt  }
0x54: {  	_ =	shalt  }
0x55: {  	_ =	shalt  }
0x56: {  	_ =	shalt  }
0x57: {  	_ =	shalt  }
0x58: {  	_ =	shalt  }
0x59: {  	_ =	shalt  }
0x5a: {  	_ =	shalt  }
0x5b: {  	_ =	shalt  }
0x5c: {  	_ =	shalt  }
0x5d: {  	_ =	shalt  }
0x5e: {  	_ =	shalt  }
0x5f: {  	_ =	shalt  }
0x60: {  	_ =	shalt  }
0x61: {  	_ =	shalt  }
0x62: {  	_ =	shalt  }
0x63: {  	_ =	shalt  }
0x64: {  	_ =	shalt  }
0x65: {  	_ =	shalt  }
0x66: {  	_ =	shalt  }
0x67: {  	_ =	shalt  }
0x68: {  	_ =	shalt  }
0x69: {  	_ =	shalt  }
0x6a: {  	_ =	shalt  }
0x6b: {  	_ =	shalt  }
0x6c: {  	_ =	shalt  }
0x6d: {  	_ =	shalt  }
0x6e: {  	_ =	shalt  }
0x6f: {  	_ =	shalt  }
0x70: {  	_ =	shalt  }
0x71: {  	_ =	shalt  }
0x72: {  	_ =	shalt  }
0x73: {  	_ =	shalt  }
0x74: {  	_ =	shalt  }
0x75: {  	_ =	shalt  }
0x76: {  	_ =	shalt  }
0x77: {  	_ =	shalt  }
0x78: {  	_ =	shalt  }
0x79: {  	_ =	shalt  }
0x7a: {  	_ =	shalt  }
0x7b: {  	_ =	shalt  }
0x7c: {  	_ =	shalt  }
0x7d: {  	_ =	shalt  }
0x7e: {  	_ =	shalt  }
0x7f: {  	_ =	shalt  }
0x80: {  	_ =	shalt  }
0x81: {  	_ =	shalt  }
0x82: {  	_ =	shalt  }
0x83: {  	_ =	shalt  }
0x84: {  	_ =	shalt  }
0x85: {  	_ =	shalt  }
0x86: {  	_ =	shalt  }
0x87: {  	_ =	shalt  }
.Lfunc_end0:
.L_simem_size_0:
called_computation_lowered:
.L_overlay_start_0:
0x88: {  	s2 =	sld [smem:$0x3FD9]  }
0x89: {  	s3 =	sld [smem:$0x3FFE];
	_ =	sdelay $0x1  }
0x8a: {  	s1 =	srdreg.scid  }
0x8b: {  	s0 =	sand.u32 $0x1, s1  }
0x8c: {  	s17 =	sshll.u32 s0, $0xA;
	s2 =	sadd.s32 s3, s2  }
0x8d: {  	s2 =	sadd.s32 s2, s17  }
0x8e: {  	[smem:$0x3FC1] =	sst s2  }
0x8f: {  	_ = 	snop  }
0x90: {  	s2 =	sld [smem:$0x3FD0];
	(tm) =	ssettm $0x1  }
0x91: {  	s18 =	sld [smem:$0x3FFB];
	_ =	sdelay $0x3  }
0x92: {  	_ =	strace s18  }
0x93: {  	s3 =	sld [smem:$0x3FFC];
	_ =	sdelay $0x3  }
0x94: {  	_ =	strace s3  }
0x95: {  	s3 =	sld [smem:$0x3FFD];
	_ =	sdelay $0x3  }
0x96: {  	_ =	strace s3  }
0x97: {  	_ =	strace $0x8FFFFFFF  }
0x98: {  	s19 =	sld [smem:$0x3FDB];
	_ =	sdelay $0x1  }
0x99: {  	s4 =	simm.s32 $_scs_section_size  }
0x9a: {  	s5 =	simm.s32 $_size__tile_overlayer_lowered;
	s6 =	simm.s32 $_tile_overlayer_lowered  }
0x9b: {  	s22 =	simm.s32 $0x1BFF;
	s21 =	sshll.u32 s6, $0x1;
	s3 =	sadd.s32 s4, s19  }
0x9c: {  	s7 =	simm.s32 $0x0;
	s20 =	sshll.u32 s5, $0x1;
	s5 =	sadd.s32 s21, s3  }
0x9d: {  	[timem:s7], [sflag:s22] =	dma.local [hbm:s5], s20  }
0x9e: {  	_ =	swait.ge [sflag:s22], s20  }
0x9f: {  	s4 =	ssub.s32 $0x0, s20;
	[sflag:s22] =	ssyncset.done $0x0  }
0xa0: {  	[sflag:s22] =	ssyncadd.s32 s4;
	_ =	sdelay $0x1  }
0xa1: {  	s23 =	simm.s32 $0x1B8B  }
0xa2: {  	_ =	swait.ge [sflag:s23], $0x1  }
0xa3: {  	[sflag:s23] =	ssyncset.done $0x0  }
0xa4: {  	s25 =	simm.s32 $0x1B8E;
	s24 =	sld [smem:$0x3FFE];
	[sflag:s23] =	ssyncadd.s32 $0xFFFFFFFF  }
0xa5: {  	s26 =	simm.s32 $execute0_lowered;
	[smem:$0x3FD2] =	sst s25  }
0xa6: {  	s5 =	sshll.u32 s26, $0x1;
	_ =	strace $0x80000046;
	[dreg:$0x1] =	wrdreg $0xFFFFFFFF  }
0xa7: {  	s28 =	simm.s32 $_size_execute0_lowered;
	s3 =	sadd.s32 s3, s5;
	[dreg:$0x0] =	wrdreg $0x0  }
0xa8: {  	s5 =	sshll.u32 s28, $0x1;
	[dreg:$0x2] =	wrdreg s3  }
0xa9: {  	[dreg:$0x3] =	wrdreg s5  }
0xaa: {  	[dreg:$0x4] =	wrdreg $0xC0  }
0xab: {  	_ =	task [dreg:s7], $0x5FFFF  }
0xac: {  	[dreg:$0x1] =	wrdreg $0xFFFFFFFF  }
0xad: {  	[dreg:$0x0] =	wrdreg $0x60  }
0xae: {  	[dreg:$0x2] =	wrdreg s2  }
0xaf: {  	[dreg:$0x3] =	wrdreg s24  }
0xb0: {  	[dreg:$0x4] =	wrdreg $0x71000  }
0xb1: {  	[dreg:$0x5] =	wrdreg $0x1B1000  }
0xb2: {  	[dreg:$0x6] =	wrdreg $0x9  }
0xb3: {  	_ =	task.clear_ibuf [dreg:s7], $0x7FFFF;
	_ =	strace $0x90000046  }
0xb4: {  	s29 =	simm.s32 $0x9;
	_ =	strace $0x80000048  }
0xb5: {  	_ =	swait.ge [sflag:s29], $0x1  }
0xb6: {  	[sflag:s29] =	ssyncadd.s32 $0xFFFFFFFF  }
0xb7: {  	_ =	strace $0x90000048  }
0xb8: {  	_ =	sfence  }
0xb9: {  	s30 =	sld [smem:$0x0];
	_ =	sdelay $0x2  }
0xba: {  	s31 =	sshll.u32 s1, $0xD;
	s1 =	sshrl.u32 s1, $0x2  }
0xbb: {  	s3 =	sand.u32 $0x4000, s31;
	s1 =	sadd.s32 s1, s30  }
0xbc: {  	s0 =	sor.u32 s3, s0;
	s1 =	sshll.u32 s1, $0x11  }
0xbd: {  	s0 =	sor.u32 s1, s0  }
0xbe: {  	s0 =	sadd.s32 $0x8F2B, s0  }
0xbf: {  	[sflag:s0] =	ssyncadd.remote.s32 $0x1  }
0xc0: {  	_ =	sfence.sel $0xFFFF  }
0xc1: {  	[dreg:$0x0] =	wrdreg $0xFFFFFFFF;
	(pc) =	sbr.abs _section_cstart, $3  }
0xc2: {  	[dreg:$0x1] =	wrdreg $0xFFFFFFFF  }
0xc3: {  	_ =	task.clear_ibuf [dreg:s7], $0x2FFFF;
	_ =	strace $0x9FFFFFFF  }
0xc4: {  	(tm) =	ssettm $0x7FFFFFFF  }
0xc5: {  	_ =	shalt  }
tec
execute0_lowered:
.L_overlay_start_1:
0x0: {  	(tag) =	ssettag $0x1  }
0x1: {  	s0 =	srdreg.scid;
	s25 =	stileid.u32  }
0x2: {  	s11 =	sand.u32 $0x1, s0;
	s1 =	smul.u32 $0x9C, s25  }
0x3: {  	s0 =	rddreg [dreg:$0x1];
	s3 =	sshll.u32 s25, $0x1;
	s12 =	smul.u32 $0x280, s25  }
0x4: {  	p0 =	slt.u32 s25, $0x2;
	s2 =	smul.u32 $0x4E, s11;
	s19 =	sor.u32 s11, s3  }
0x5: {  	s5 =	ssub.s32 $0x2, s11;
	s13 =	sadd.s32 $0x1F200, s0;
	s16 =	smul.u32 $0x140000, s11  }
0x6: {  	s3 =	smin.u32 s19, $0x4;
	s20 =	sshrl.u32 s5, $0x1;
	s14 =	sadd.s32 $0x80, s12  }
0x7: {  	s15 =	sadd.s32 $0x100, s12;
	s17 =	sadd.s32 $0x180, s12;
	s12 =	sadd.s32 $0x200, s12  }
0x8: {  	s2 =	sadd.s32 s2, s1;
	s1 =	smul.u32 $0x14000, s25;
	s8 =	ssub.s32 s5, s20  }
0x9: {  	s6 =	sshll.u32 s15, $0x7;
	s9 =	sshll.u32 s17, $0x7;
	s15 =	sshll.u32 s15, $0x4  }
0xa: {  	s4 =	sadd.s32 s3, s2;
	s3 =	sshll.u32 s14, $0x7;
	s24 =	sadd.s32 s16, s6  }
0xb: {  	s31 =	sadd.s32 s16, s9;
	s2 =	sor.u32 $0x2000, s1;
	s5 =	sadd.s32 $0x6000, s1  }
0xc: {  	s7 =	sadd.s32 $0xA000, s1;
	s18 =	sadd.s32 s1, s16;
	s10 =	sadd.s32 $0xE000, s1  }
0xd: {  	s19 =	sadd.s32 s16, s3;
	s4 =	sshll.u32 s4, $0x4;
	s18 =	sshrl.u32 s18, $0x3  }
0xe: {  	s21 =	sadd.s32 s16, s2;
	s19 =	sshrl.u32 s19, $0x3;
	s20 =	sadd.s32 s16, s5  }
0xf: {  	s26 =	sadd.s32 s16, s7;
	s18 =	sadd.s32 s13, s18;
	s22 =	sadd.s32 s13, s19  }
0x10: {  	s23 =	sshrl.u32 s20, $0x3;
	[dreg:$0x5] =	wrdreg s18;
	s18 =	sshrl.u32 s21, $0x3  }
0x11: {  	s19 =	sshrl.u32 s26, $0x3;
	[dreg:$0x7] =	wrdreg s22;
	s18 =	sadd.s32 s13, s18  }
0x12: {  	s20 =	sshrl.u32 s31, $0x3;
	[dreg:$0x6] =	wrdreg s18;
	s18 =	sadd.s32 s13, s23  }
0x13: {  	s19 =	sadd.s32 s13, s19;
	[dreg:$0x8] =	wrdreg s18;
	s18 =	sshrl.u32 s24, $0x3  }
0x14: {  	s21 =	sadd.s32 s16, s10;
	[dreg:$0xa] =	wrdreg s19;
	s18 =	sadd.s32 s13, s18  }
0x15: {  	s19 =	sshll.u32 s12, $0x7;
	[dreg:$0x9] =	wrdreg s18;
	s18 =	sadd.s32 s13, s20  }
0x16: {  	s20 =	sadd.s32 $0x12000, s1;
	[dreg:$0xb] =	wrdreg s18;
	s18 =	sshrl.u32 s21, $0x3  }
0x17: {  	s21 =	sadd.s32 s16, s19;
	s16 =	sadd.s32 s16, s20;
	s18 =	sadd.s32 s13, s18  }
0x18: {  	s22 =	sshrl.u32 s21, $0x3;
	s16 =	sshrl.u32 s16, $0x3;
	[dreg:$0xc] =	wrdreg s18  }
0x19: {  	s18 =	sadd.s32 s13, s22;
	s23 =	sadd.s32 s13, s16;
	s13 =	smul.u32 $0x2800, s25  }
0x1a: {  	s26 =	sadd.s32 $0x15200, s0;
	[dreg:$0xd] =	wrdreg s18;
	s18 =	smul.u32 $0x28000, s11  }
0x1b: {  	s12 =	sshll.u32 s12, $0x4;
	s21 =	sshll.u32 s14, $0x4;
	s22 =	sshll.u32 s17, $0x4  }
0x1c: {  	[dreg:$0xe] =	wrdreg s23;
	s11 =	simm.s32 $0x0;
	s24 =	sadd.s32 s13, s18  }
0x1d: {  	[smem:$0x7FF] =	sst s11;
	s31 =	sadd.s32 s18, s21;
	s14 =	sshrl.u32 s24, $0x3  }
0x1e: {  	s23 =	sadd.s32 s18, s15;
	s16 =	sshrl.u32 s31, $0x3;
	s14 =	sadd.s32 s26, s14  }
0x1f: {  	s24 =	sadd.s32 s18, s12;
	[dreg:$0xf] =	wrdreg s14;
	s14 =	sadd.s32 s26, s16  }
0x20: {  	s16 =	sshrl.u32 s23, $0x3;
	s23 =	sadd.s32 s18, s22;
	s18 =	rddreg [dreg:$0x3]  }
0x21: {  	s31 =	sadd.s32 $0x14C00, s0;
	s24 =	sshrl.u32 s24, $0x3;
	[dreg:$0x10] =	wrdreg s14  }
0x22: {  	s17 =	sadd.s32 s26, s24;
	s14 =	rddreg [dreg:$0x0];
	s16 =	sadd.s32 s26, s16  }
0x23: {  	s23 =	sshrl.u32 s23, $0x3;
	[dreg:$0x13] =	wrdreg s17;
	s24 =	sadd.s32 s13, s18  }
0x24: {  	s28 =	sadd.s32 s12, s18;
	s12 =	simm.s32 $0x4900;
	[dreg:$0x11] =	wrdreg s16  }
0x25: {  	s13 =	simm.s32 $0x2;
	s16 =	rddreg [dreg:$0x2];
	s23 =	sadd.s32 s26, s23  }
0x26: {  	s26 =	sadd.s32 $0x14E00, s0;
	[dreg:$0x12] =	wrdreg s23;
	s23 =	sadd.s32 s4, s0  }
0x27: {  	s0 =	sadd.s32 $0x14A00, s0;
	s1 =	sadd.s32 s1, s16;
	s2 =	sadd.s32 s2, s16  }
0x28: {  	s29 =	sadd.s32 s3, s16;
	s30 =	sadd.s32 s5, s16;
	s17 =	sadd.s32 s6, s16  }
0x29: {  	s3 =	sadd.s32 s9, s16;
	_ =	strace $0x80000047;
	[dreg:$0x14] =	wrdreg s26  }
0x2a: {  	s4 =	sadd.s32 s10, s16;
	s5 =	sadd.s32 s19, s16;
	[dreg:$0x15] =	wrdreg s31  }
0x2b: {  	s6 =	sadd.s32 s20, s16;
	s19 =	simm.s32 $0x4100;
	[dreg:$0x16] =	wrdreg s0  }
0x2c: {  	s20 =	simm.s32 $0x80;
	s10 =	smov.u32 s2;
	[dreg:$0x19] =	wrdreg s28  }
0x2d: {  	s2 =	sadd.s32 s22, s18;
	s22 =	smax.u32 s8, $0x1;
	[dreg:$0x1a] =	wrdreg s30  }
0x2e: {  	s26 =	sadd.s32 s7, s16;
	s25 =	sadd.s32 $0xAC00, s23;
	[dreg:$0x1c] =	wrdreg s22  }
0x2f: {  	s9 =	smov.u32 s1;
	s31 =	sadd.s32 $0xE00, s23;
	[dreg:$0x1d] =	wrdreg s25  }
0x30: {  	s0 =	sadd.s32 s21, s18;
	s7 =	sadd.s32 s15, s18;
	[dreg:$0x1e] =	wrdreg s31  }
0x31: {  	s1 =	simm.s32 $0x4F;
	s15 =	simm.s32 $0x6900;
	[dreg:$0x17] =	wrdreg s0  }
0x32: {  	s21 =	simm.s32 $0x100;
	s1 =	simm.s32 @!p0 $0x4E;
	[dreg:$0x18] =	wrdreg s2  }
0x33: {  	s23 =	simm.s32 $0x0;
	s22 =	simm.s32 $0x1;
	[dreg:$0x1b] =	wrdreg s1  }
.LBB2_1:
0x34: {  	s8 =	rddreg [dreg:$0x14]  }
0x35: {  	[tilespmem:s12], [sflag:$0x2] =	stream.linear.gather [hbm4b:s8+s11], $0x2000, $0x38;
	[tilespmem:$0x1D900] =	vst v63  }
0x36: {  	_ =	swait.ge [sflag:s13], $0x2000  }
0x37: {  	[sflag:s13] =	ssyncset.done $0x0  }
0x38: {  	[sflag:s13] =	ssyncadd.s32 $0xFFFFE000  }
0x39: {  	[spmem:s9] =	stream.linear.scatter [tilespmem:s12], [sflag:$0x2], $0x2000, $0x38;
	[tilespmem:$0x1D900] =	vst v63  }
0x3a: {  	_ =	swait.ge [sflag:s13], $0x2000  }
0x3b: {  	[sflag:s13] =	ssyncset.done $0x0  }
0x3c: {  	[sflag:s13] =	ssyncadd.s32 $0xFFFFE000  }
0x3d: {  	[spmem:s10] =	stream.linear.scatter [tilespmem:s12], [sflag:$0x2], $0x2000, $0x38;
	[tilespmem:$0x1D900] =	vst v63  }
0x3e: {  	_ =	swait.ge [sflag:s13], $0x2000  }
0x3f: {  	[sflag:s13] =	ssyncset.done $0x0  }
0x40: {  	[sflag:s13] =	ssyncadd.s32 $0xFFFFE000  }
0x41: {  	[spmem:s29] =	stream.linear.scatter [tilespmem:s12], [sflag:$0x2], $0x2000, $0x38;
	[tilespmem:$0x1D900] =	vst v63  }
0x42: {  	_ =	swait.ge [sflag:s13], $0x2000  }
0x43: {  	[sflag:s13] =	ssyncset.done $0x0  }
0x44: {  	[sflag:s13] =	ssyncadd.s32 $0xFFFFE000  }
0x45: {  	[spmem:s30] =	stream.linear.scatter [tilespmem:s12], [sflag:$0x2], $0x2000, $0x38;
	[tilespmem:$0x1D900] =	vst v63  }
0x46: {  	_ =	swait.ge [sflag:s13], $0x2000  }
0x47: {  	[sflag:s13] =	ssyncset.done $0x0  }
0x48: {  	[sflag:s13] =	ssyncadd.s32 $0xFFFFE000  }
0x49: {  	[spmem:s17] =	stream.linear.scatter [tilespmem:s12], [sflag:$0x2], $0x2000, $0x38;
	[tilespmem:$0x1D900] =	vst v63  }
0x4a: {  	_ =	swait.ge [sflag:s13], $0x2000  }
0x4b: {  	[sflag:s13] =	ssyncset.done $0x0  }
0x4c: {  	s1 =	smov.u32 s26;
	[sflag:s13] =	ssyncadd.s32 $0xFFFFE000  }
0x4d: {  	[spmem:s1] =	stream.linear.scatter [tilespmem:s12], [sflag:$0x2], $0x2000, $0x38;
	[tilespmem:$0x1D900] =	vst v63  }
0x4e: {  	_ =	swait.ge [sflag:s13], $0x2000  }
0x4f: {  	[sflag:s13] =	ssyncset.done $0x0  }
0x50: {  	[sflag:s13] =	ssyncadd.s32 $0xFFFFE000  }
0x51: {  	[spmem:s3] =	stream.linear.scatter [tilespmem:s12], [sflag:$0x2], $0x2000, $0x38;
	[tilespmem:$0x1D900] =	vst v63  }
0x52: {  	_ =	swait.ge [sflag:s13], $0x2000  }
0x53: {  	[sflag:s13] =	ssyncset.done $0x0  }
0x54: {  	[sflag:s13] =	ssyncadd.s32 $0xFFFFE000  }
0x55: {  	[spmem:s4] =	stream.linear.scatter [tilespmem:s12], [sflag:$0x2], $0x2000, $0x38;
	[tilespmem:$0x1D900] =	vst v63  }
0x56: {  	_ =	swait.ge [sflag:s13], $0x2000  }
0x57: {  	[sflag:s13] =	ssyncset.done $0x0  }
0x58: {  	[sflag:s13] =	ssyncadd.s32 $0xFFFFE000  }
0x59: {  	[spmem:s5] =	stream.linear.scatter [tilespmem:s12], [sflag:$0x2], $0x2000, $0x38;
	[tilespmem:$0x1D900] =	vst v63  }
0x5a: {  	_ =	swait.ge [sflag:s13], $0x2000  }
0x5b: {  	[sflag:s13] =	ssyncset.done $0x0  }
0x5c: {  	[sflag:s13] =	ssyncadd.s32 $0xFFFFE000  }
0x5d: {  	[spmem:s6] =	stream.linear.scatter [tilespmem:s12], [sflag:$0x2], $0x2000, $0x38;
	[tilespmem:$0x1D900] =	vst v63  }
0x5e: {  	_ =	swait.ge [sflag:s13], $0x2000  }
0x5f: {  	[sflag:s13] =	ssyncset.done $0x0  }
0x60: {  	s31 =	smov.u32 s10;
	s10 =	rddreg [dreg:$0x15];
	[sflag:s13] =	ssyncadd.s32 $0xFFFFE000  }
0x61: {  	[tilespmem:s15], [sflag:$0x2] =	stream.linear.gather [hbm4b:s10+s11], $0x800, $0x38;
	[tilespmem:$0x1D900] =	vst v63  }
0x62: {  	_ =	swait.ge [sflag:s13], $0x800  }
0x63: {  	[sflag:s13] =	ssyncset.done $0x0  }
0x64: {  	[sflag:s13] =	ssyncadd.s32 $0xFFFFF800  }
0x65: {  	[spmem:s24] =	stream.linear.scatter [tilespmem:s15], [sflag:$0x2], $0x800, $0x38;
	[tilespmem:$0x1D900] =	vst v63  }
0x66: {  	_ =	swait.ge [sflag:s13], $0x800  }
0x67: {  	[sflag:s13] =	ssyncset.done $0x0  }
0x68: {  	s25 =	smov.u32 s0;
	[sflag:s13] =	ssyncadd.s32 $0xFFFFF800  }
0x69: {  	[spmem:s25] =	stream.linear.scatter [tilespmem:s15], [sflag:$0x2], $0x800, $0x38;
	[tilespmem:$0x1D900] =	vst v63  }
0x6a: {  	_ =	swait.ge [sflag:s13], $0x800  }
0x6b: {  	[sflag:s13] =	ssyncset.done $0x0  }
0x6c: {  	[sflag:s13] =	ssyncadd.s32 $0xFFFFF800  }
0x6d: {  	[spmem:s7] =	stream.linear.scatter [tilespmem:s15], [sflag:$0x2], $0x800, $0x38;
	[tilespmem:$0x1D900] =	vst v63  }
0x6e: {  	_ =	swait.ge [sflag:s13], $0x800  }
0x6f: {  	[sflag:s13] =	ssyncset.done $0x0  }
0x70: {  	s26 =	smov.u32 s9;
	s9 =	smov.u32 s2;
	[sflag:s13] =	ssyncadd.s32 $0xFFFFF800  }
0x71: {  	[spmem:s9] =	stream.linear.scatter [tilespmem:s15], [sflag:$0x2], $0x800, $0x38;
	[tilespmem:$0x1D900] =	vst v63  }
0x72: {  	_ =	swait.ge [sflag:s13], $0x800  }
0x73: {  	[sflag:s13] =	ssyncset.done $0x0  }
0x74: {  	[sflag:s13] =	ssyncadd.s32 $0xFFFFF800  }
0x75: {  	[spmem:s28] =	stream.linear.scatter [tilespmem:s15], [sflag:$0x2], $0x800, $0x38;
	[tilespmem:$0x1D900] =	vst v63  }
0x76: {  	_ =	swait.ge [sflag:s13], $0x800  }
0x77: {  	[sflag:s13] =	ssyncset.done $0x0  }
0x78: {  	s28 =	rddreg [dreg:$0x16];
	[sflag:s13] =	ssyncadd.s32 $0xFFFFF800  }
0x79: {  	[tilespmem:s19], [sflag:$0x2] =	stream.linear.gather [hbm4b:s28+s11], $0x800, $0x38;
	[tilespmem:$0x1D900] =	vst v63  }
0x7a: {  	_ =	swait.ge [sflag:s13], $0x800  }
0x7b: {  	[sflag:s13] =	ssyncset.done $0x0  }
0x7c: {  	[sflag:s13] =	ssyncadd.s32 $0xFFFFF800  }
0x7d: {  	[bflag:$0x0] =	sbarrier.arrive $0xFFFF  }
0x7e: {  	s9 =	rddreg [dreg:$0x1d]  }
0x7f: {  	[tilespmem:s11], [sflag:$0x2] =	stream.linear.gather [hbm4b:s9+s11], $0x80, $0x38;
	[tilespmem:$0x1D900] =	vst v63  }
0x80: {  	_ =	swait.ge [sflag:s13], $0x80  }
0x81: {  	[sflag:s13] =	ssyncset.done $0x0  }
0x82: {  	s10 =	rddreg [dreg:$0x1e];
	[sflag:s13] =	ssyncadd.s32 $0xFFFFFF80  }
0x83: {  	[tilespmem:s20], [sflag:$0x2] =	stream.linear.gather [hbm4b:s10+s11], $0x80, $0x38;
	[tilespmem:$0x1D900] =	vst v63  }
0x84: {  	_ =	swait.ge [sflag:s13], $0x80  }
0x85: {  	[sflag:s13] =	ssyncset.done $0x0  }
0x86: {  	[sflag:s13] =	ssyncadd.s32 $0xFFFFFF80  }
0x87: {  	[tilespmem:s21], [sflag:$0x1] =	stream.indirect.gather [hbm4b:s14+s20], $0x80, s11, s20, $0xb8;
	[tilespmem:$0x1D900] =	vst v63  }
0x88: {  	_ =	swait.ge [sflag:s22], $0x4000  }
0x89: {  	[sflag:s22] =	ssyncset.done $0x0  }
0x8a: {  	[sflag:s22] =	ssyncadd.s32 $0xFFFFC000  }
0x8b: {  	[spmem:s16] =	stream.indirect.scatter.add.f32 [tilespmem:s21], [sflag:$0x2], $0x80, s20, s20, $0xb8;
	[tilespmem:$0x1D900] =	vst v63  }
0x8c: {  	_ =	swait.ge [sflag:s13], $0x4000  }
0x8d: {  	s30 =	rddreg [dreg:$0x1b]  }
0x8e: {  	p0 =	sne.s32 s30, $0x1  }
.Ltmp0:
0x8f: {  	[sflag:s13] =	ssyncset.done $0x0;
	(pc) =	sbr.rel @!p0 .LBB2_3-.Ltmp0, $4  }
0x90: {  	[sflag:s13] =	ssyncadd.s32 $0xFFFFC000  }
0x91: {  	[spmem:s18] =	stream.indirect.scatter.add.f32 [tilespmem:s19], [sflag:$0x2], $0x10, s20, s20, $0xb8;
	[tilespmem:$0x1D900] =	vst v63  }
0x92: {  	s0 =	smov.u32 s17;
	s2 =	smov.u32 s1;
	_ =	swait.ge [sflag:s13], $0x800  }
0x93: {  	s1 =	smov.u32 s3;
	s8 =	sadd.s32 $0xFFFFFFFF, s30;
	[sflag:s13] =	ssyncset.done $0x0  }
.LBB2_2:
0x94: {  	[sflag:s13] =	ssyncadd.s32 $0xFFFFF800;
	s9 =	sadd.s32 $0x10, s9;
	s10 =	sadd.s32 $0x10, s10  }
0x95: {  	[tilespmem:s11], [sflag:$0x2] =	stream.linear.gather [hbm4b:s9+s11], $0x80, $0x38;
	[tilespmem:$0x1D900] =	vst v63  }
0x96: {  	p0 =	sne.s32 s8, $0x1;
	s8 =	sadd.s32 $0xFFFFFFFF, s8;
	_ =	swait.ge [sflag:s13], $0x80  }
0x97: {  	[sflag:s13] =	ssyncset.done $0x0  }
0x98: {  	[sflag:s13] =	ssyncadd.s32 $0xFFFFFF80  }
0x99: {  	[tilespmem:s20], [sflag:$0x2] =	stream.linear.gather [hbm4b:s10+s11], $0x80, $0x38;
	[tilespmem:$0x1D900] =	vst v63  }
0x9a: {  	_ =	swait.ge [sflag:s13], $0x80  }
0x9b: {  	[sflag:s13] =	ssyncset.done $0x0  }
0x9c: {  	[sflag:s13] =	ssyncadd.s32 $0xFFFFFF80  }
0x9d: {  	[tilespmem:s21], [sflag:$0x1] =	stream.indirect.gather [hbm4b:s14+s20], $0x80, s11, s20, $0xb8;
	[tilespmem:$0x1D900] =	vst v63  }
0x9e: {  	_ =	swait.ge [sflag:s22], $0x4000  }
0x9f: {  	[sflag:s22] =	ssyncset.done $0x0  }
0xa0: {  	[sflag:s22] =	ssyncadd.s32 $0xFFFFC000  }
0xa1: {  	[spmem:s16] =	stream.indirect.scatter.add.f32 [tilespmem:s21], [sflag:$0x2], $0x80, s20, s20, $0xb8;
	[tilespmem:$0x1D900] =	vst v63  }
0xa2: {  	_ =	swait.ge [sflag:s13], $0x4000  }
.Ltmp1:
0xa3: {  	[sflag:s13] =	ssyncset.done $0x0;
	(pc) =	sbr.rel @p0 .LBB2_2-.Ltmp1, $4  }
0xa4: {  	[sflag:s13] =	ssyncadd.s32 $0xFFFFC000  }
0xa5: {  	[spmem:s18] =	stream.indirect.scatter.add.f32 [tilespmem:s19], [sflag:$0x2], $0x10, s20, s20, $0xb8;
	[tilespmem:$0x1D900] =	vst v63  }
0xa6: {  	_ =	swait.ge [sflag:s13], $0x800  }
0xa7: {  	[sflag:s13] =	ssyncset.done $0x0  }
.LBB2_3:
0xa8: {  	[sflag:s13] =	ssyncadd.s32 $0xFFFFF800  }
0xa9: {  	[bflag:$0x0] =	sbarrier.arrive $0xFFFF  }
0xaa: {  	[tilespmem:s12], [sflag:$0x2] =	stream.linear.gather [spmem:s26], $0x2000, $0x38;
	[tilespmem:$0x1D900] =	vst v63  }
0xab: {  	_ =	swait.ge [sflag:s13], $0x2000  }
0xac: {  	[sflag:s13] =	ssyncset.done $0x0  }
0xad: {  	s8 =	rddreg [dreg:$0x5];
	[sflag:s13] =	ssyncadd.s32 $0xFFFFE000  }
0xae: {  	[hbm4b:s8+s11] =	stream.linear.scatter [tilespmem:s12], [sflag:$0x2], $0x2000, $0x38;
	[tilespmem:$0x1D900] =	vst v63  }
0xaf: {  	_ =	swait.ge [sflag:s13], $0x2000  }
0xb0: {  	[sflag:s13] =	ssyncset.done $0x0  }
0xb1: {  	[sflag:s13] =	ssyncadd.s32 $0xFFFFE000  }
0xb2: {  	[tilespmem:s12], [sflag:$0x2] =	stream.linear.gather [spmem:s31], $0x2000, $0x38;
	[tilespmem:$0x1D900] =	vst v63  }
0xb3: {  	_ =	swait.ge [sflag:s13], $0x2000  }
0xb4: {  	[sflag:s13] =	ssyncset.done $0x0  }
0xb5: {  	s17 =	rddreg [dreg:$0x6];
	[sflag:s13] =	ssyncadd.s32 $0xFFFFE000  }
0xb6: {  	[hbm4b:s17+s11] =	stream.linear.scatter [tilespmem:s12], [sflag:$0x2], $0x2000, $0x38;
	[tilespmem:$0x1D900] =	vst v63  }
0xb7: {  	_ =	swait.ge [sflag:s13], $0x2000  }
0xb8: {  	[sflag:s13] =	ssyncset.done $0x0  }
0xb9: {  	[sflag:s13] =	ssyncadd.s32 $0xFFFFE000  }
0xba: {  	[tilespmem:s12], [sflag:$0x2] =	stream.linear.gather [spmem:s29], $0x2000, $0x38;
	[tilespmem:$0x1D900] =	vst v63  }
0xbb: {  	_ =	swait.ge [sflag:s13], $0x2000  }
0xbc: {  	[sflag:s13] =	ssyncset.done $0x0  }
0xbd: {  	s25 =	rddreg [dreg:$0x7];
	[sflag:s13] =	ssyncadd.s32 $0xFFFFE000  }
0xbe: {  	[hbm4b:s25+s11] =	stream.linear.scatter [tilespmem:s12], [sflag:$0x2], $0x2000, $0x38;
	[tilespmem:$0x1D900] =	vst v63  }
0xbf: {  	_ =	swait.ge [sflag:s13], $0x2000  }
0xc0: {  	[sflag:s13] =	ssyncset.done $0x0  }
0xc1: {  	s30 =	rddreg [dreg:$0x1a];
	[sflag:s13] =	ssyncadd.s32 $0xFFFFE000  }
0xc2: {  	[tilespmem:s12], [sflag:$0x2] =	stream.linear.gather [spmem:s30], $0x2000, $0x38;
	[tilespmem:$0x1D900] =	vst v63  }
0xc3: {  	_ =	swait.ge [sflag:s13], $0x2000  }
0xc4: {  	[sflag:s13] =	ssyncset.done $0x0  }
0xc5: {  	s9 =	smov.u32 s26;
	s26 =	rddreg [dreg:$0x8];
	[sflag:s13] =	ssyncadd.s32 $0xFFFFE000  }
0xc6: {  	[hbm4b:s26+s11] =	stream.linear.scatter [tilespmem:s12], [sflag:$0x2], $0x2000, $0x38;
	[tilespmem:$0x1D900] =	vst v63  }
0xc7: {  	_ =	swait.ge [sflag:s13], $0x2000  }
0xc8: {  	[sflag:s13] =	ssyncset.done $0x0  }
0xc9: {  	[sflag:s13] =	ssyncadd.s32 $0xFFFFE000  }
0xca: {  	[tilespmem:s12], [sflag:$0x2] =	stream.linear.gather [spmem:s0], $0x2000, $0x38;
	[tilespmem:$0x1D900] =	vst v63  }
0xcb: {  	_ =	swait.ge [sflag:s13], $0x2000  }
0xcc: {  	[sflag:s13] =	ssyncset.done $0x0  }
0xcd: {  	s10 =	smov.u32 s31;
	s31 =	rddreg [dreg:$0x9];
	[sflag:s13] =	ssyncadd.s32 $0xFFFFE000  }
0xce: {  	[hbm4b:s31+s11] =	stream.linear.scatter [tilespmem:s12], [sflag:$0x2], $0x2000, $0x38;
	[tilespmem:$0x1D900] =	vst v63  }
0xcf: {  	_ =	swait.ge [sflag:s13], $0x2000  }
0xd0: {  	[sflag:s13] =	ssyncset.done $0x0  }
0xd1: {  	[sflag:s13] =	ssyncadd.s32 $0xFFFFE000  }
0xd2: {  	[tilespmem:s12], [sflag:$0x2] =	stream.linear.gather [spmem:s2], $0x2000, $0x38;
	[tilespmem:$0x1D900] =	vst v63  }
0xd3: {  	_ =	swait.ge [sflag:s13], $0x2000  }
0xd4: {  	[sflag:s13] =	ssyncset.done $0x0  }
0xd5: {  	s17 =	smov.u32 s0;
	s0 =	rddreg [dreg:$0xa];
	[sflag:s13] =	ssyncadd.s32 $0xFFFFE000  }
0xd6: {  	[hbm4b:s0+s11] =	stream.linear.scatter [tilespmem:s12], [sflag:$0x2], $0x2000, $0x38;
	[tilespmem:$0x1D900] =	vst v63  }
0xd7: {  	_ =	swait.ge [sflag:s13], $0x2000  }
0xd8: {  	[sflag:s13] =	ssyncset.done $0x0  }
0xd9: {  	[sflag:s13] =	ssyncadd.s32 $0xFFFFE000  }
0xda: {  	[tilespmem:s12], [sflag:$0x2] =	stream.linear.gather [spmem:s1], $0x2000, $0x38;
	[tilespmem:$0x1D900] =	vst v63  }
0xdb: {  	_ =	swait.ge [sflag:s13], $0x2000  }
0xdc: {  	[sflag:s13] =	ssyncset.done $0x0  }
0xdd: {  	s26 =	smov.u32 s2;
	s2 =	rddreg [dreg:$0xb];
	[sflag:s13] =	ssyncadd.s32 $0xFFFFE000  }
0xde: {  	[hbm4b:s2+s11] =	stream.linear.scatter [tilespmem:s12], [sflag:$0x2], $0x2000, $0x38;
	[tilespmem:$0x1D900] =	vst v63  }
0xdf: {  	_ =	swait.ge [sflag:s13], $0x2000  }
0xe0: {  	[sflag:s13] =	ssyncset.done $0x0  }
0xe1: {  	[sflag:s13] =	ssyncadd.s32 $0xFFFFE000  }
0xe2: {  	[tilespmem:s12], [sflag:$0x2] =	stream.linear.gather [spmem:s4], $0x2000, $0x38;
	[tilespmem:$0x1D900] =	vst v63  }
0xe3: {  	_ =	swait.ge [sflag:s13], $0x2000  }
0xe4: {  	[sflag:s13] =	ssyncset.done $0x0  }
0xe5: {  	s3 =	rddreg [dreg:$0xc];
	[sflag:s13] =	ssyncadd.s32 $0xFFFFE000  }
0xe6: {  	[hbm4b:s3+s11] =	stream.linear.scatter [tilespmem:s12], [sflag:$0x2], $0x2000, $0x38;
	[tilespmem:$0x1D900] =	vst v63  }
0xe7: {  	_ =	swait.ge [sflag:s13], $0x2000  }
0xe8: {  	[sflag:s13] =	ssyncset.done $0x0  }
0xe9: {  	[sflag:s13] =	ssyncadd.s32 $0xFFFFE000  }
0xea: {  	[tilespmem:s12], [sflag:$0x2] =	stream.linear.gather [spmem:s5], $0x2000, $0x38;
	[tilespmem:$0x1D900] =	vst v63  }
0xeb: {  	_ =	swait.ge [sflag:s13], $0x2000  }
0xec: {  	[sflag:s13] =	ssyncset.done $0x0  }
0xed: {  	s25 =	rddreg [dreg:$0xd];
	[sflag:s13] =	ssyncadd.s32 $0xFFFFE000  }
0xee: {  	[hbm4b:s25+s11] =	stream.linear.scatter [tilespmem:s12], [sflag:$0x2], $0x2000, $0x38;
	[tilespmem:$0x1D900] =	vst v63  }
0xef: {  	_ =	swait.ge [sflag:s13], $0x2000  }
0xf0: {  	[sflag:s13] =	ssyncset.done $0x0  }
0xf1: {  	[sflag:s13] =	ssyncadd.s32 $0xFFFFE000  }
0xf2: {  	[tilespmem:s12], [sflag:$0x2] =	stream.linear.gather [spmem:s6], $0x2000, $0x38;
	[tilespmem:$0x1D900] =	vst v63  }
0xf3: {  	_ =	swait.ge [sflag:s13], $0x2000  }
0xf4: {  	[sflag:s13] =	ssyncset.done $0x0  }
0xf5: {  	s31 =	rddreg [dreg:$0xe];
	[sflag:s13] =	ssyncadd.s32 $0xFFFFE000  }
0xf6: {  	[hbm4b:s31+s11] =	stream.linear.scatter [tilespmem:s12], [sflag:$0x2], $0x2000, $0x38;
	[tilespmem:$0x1D900] =	vst v63  }
0xf7: {  	_ =	swait.ge [sflag:s13], $0x2000  }
0xf8: {  	[sflag:s13] =	ssyncset.done $0x0  }
0xf9: {  	[sflag:s13] =	ssyncadd.s32 $0xFFFFE000  }
0xfa: {  	[tilespmem:s15], [sflag:$0x2] =	stream.linear.gather [spmem:s24], $0x800, $0x38;
	[tilespmem:$0x1D900] =	vst v63  }
0xfb: {  	_ =	swait.ge [sflag:s13], $0x800  }
0xfc: {  	[sflag:s13] =	ssyncset.done $0x0  }
0xfd: {  	s0 =	rddreg [dreg:$0xf];
	[sflag:s13] =	ssyncadd.s32 $0xFFFFF800  }
0xfe: {  	[hbm4b:s0+s11] =	stream.linear.scatter [tilespmem:s15], [sflag:$0x2], $0x800, $0x38;
	[tilespmem:$0x1D900] =	vst v63  }
0xff: {  	_ =	swait.ge [sflag:s13], $0x800  }
0x100: {  	[sflag:s13] =	ssyncset.done $0x0  }
0x101: {  	s0 =	rddreg [dreg:$0x17];
	[sflag:s13] =	ssyncadd.s32 $0xFFFFF800  }
0x102: {  	[tilespmem:s15], [sflag:$0x2] =	stream.linear.gather [spmem:s0], $0x800, $0x38;
	[tilespmem:$0x1D900] =	vst v63  }
0x103: {  	_ =	swait.ge [sflag:s13], $0x800  }
0x104: {  	[sflag:s13] =	ssyncset.done $0x0  }
0x105: {  	s2 =	rddreg [dreg:$0x10];
	[sflag:s13] =	ssyncadd.s32 $0xFFFFF800  }
0x106: {  	[hbm4b:s2+s11] =	stream.linear.scatter [tilespmem:s15], [sflag:$0x2], $0x800, $0x38;
	[tilespmem:$0x1D900] =	vst v63  }
0x107: {  	_ =	swait.ge [sflag:s13], $0x800  }
0x108: {  	[sflag:s13] =	ssyncset.done $0x0  }
0x109: {  	[sflag:s13] =	ssyncadd.s32 $0xFFFFF800  }
0x10a: {  	[tilespmem:s15], [sflag:$0x2] =	stream.linear.gather [spmem:s7], $0x800, $0x38;
	[tilespmem:$0x1D900] =	vst v63  }
0x10b: {  	_ =	swait.ge [sflag:s13], $0x800  }
0x10c: {  	[sflag:s13] =	ssyncset.done $0x0  }
0x10d: {  	s3 =	rddreg [dreg:$0x11];
	[sflag:s13] =	ssyncadd.s32 $0xFFFFF800  }
0x10e: {  	[hbm4b:s3+s11] =	stream.linear.scatter [tilespmem:s15], [sflag:$0x2], $0x800, $0x38;
	[tilespmem:$0x1D900] =	vst v63  }
0x10f: {  	_ =	swait.ge [sflag:s13], $0x800  }
0x110: {  	[sflag:s13] =	ssyncset.done $0x0  }
0x111: {  	s2 =	rddreg [dreg:$0x18];
	[sflag:s13] =	ssyncadd.s32 $0xFFFFF800  }
0x112: {  	[tilespmem:s15], [sflag:$0x2] =	stream.linear.gather [spmem:s2], $0x800, $0x38;
	[tilespmem:$0x1D900] =	vst v63  }
0x113: {  	_ =	swait.ge [sflag:s13], $0x800  }
0x114: {  	[sflag:s13] =	ssyncset.done $0x0  }
0x115: {  	s25 =	rddreg [dreg:$0x12];
	[sflag:s13] =	ssyncadd.s32 $0xFFFFF800  }
0x116: {  	[hbm4b:s25+s11] =	stream.linear.scatter [tilespmem:s15], [sflag:$0x2], $0x800, $0x38;
	[tilespmem:$0x1D900] =	vst v63  }
0x117: {  	_ =	swait.ge [sflag:s13], $0x800  }
0x118: {  	[sflag:s13] =	ssyncset.done $0x0  }
0x119: {  	s28 =	rddreg [dreg:$0x19];
	[sflag:s13] =	ssyncadd.s32 $0xFFFFF800  }
0x11a: {  	[tilespmem:s15], [sflag:$0x2] =	stream.linear.gather [spmem:s28], $0x800, $0x38;
	[tilespmem:$0x1D900] =	vst v63  }
0x11b: {  	_ =	swait.ge [sflag:s13], $0x800  }
0x11c: {  	[sflag:s13] =	ssyncset.done $0x0  }
0x11d: {  	s31 =	rddreg [dreg:$0x13];
	[sflag:s13] =	ssyncadd.s32 $0xFFFFF800  }
0x11e: {  	[hbm4b:s31+s11] =	stream.linear.scatter [tilespmem:s15], [sflag:$0x2], $0x800, $0x38;
	[tilespmem:$0x1D900] =	vst v63  }
0x11f: {  	_ =	swait.ge [sflag:s13], $0x800  }
0x120: {  	s23 =	sadd.s32 $0x1, s23;
	s3 =	rddreg [dreg:$0x1c]  }
0x121: {  	p0 =	sne.s32 s23, s3  }
.Ltmp2:
0x122: {  	_ = 	snop;
	(pc) =	sbr.rel @p0 .LBB2_1-.Ltmp2, $3  }
0x123: {  	_ =	sdelay $0x1  }
0x124: {  	[sflag:s13] =	ssyncset.done $0x0  }
0x125: {  	[sflag:s13] =	ssyncadd.s32 $0xFFFFF800;
	s3 =	smov.u32 s1  }
0x126: {  	_ =	sfence.sel $0x180000  }
0x127: {  	[bflag:$0x0] =	sbarrier.arrive $0xFFFF  }
0x128: {  	_ =	strace $0x90000047  }
0x129: {  	s0 =	stileid.u32;
	[bflag:$0x2] =	sbarrier.arrive $0xFFFF  }
0x12a: {  	p0 =	sne.s32 s0, $0x0;
	s0 =	rddreg [dreg:$0x4]  }
0x12b: {  	s0 =	sadd.s32 @!p0 $0x100000, s0  }
0x12c: {  	[sflag:s0] =	ssyncadd.tile.s32 @!p0 $0x1;
	_ =	shalt  }
.Lfunc_end2:
_tile_overlayer_lowered:
.L_overlay_start_2:
0x12d: {  	(tag) =	ssettag $0x2  }
0x12e: {  	s0 =	rddreg [dreg:$0x0];
	s2 =	stileid.u32  }
0x12f: {  	s1 =	rddreg [dreg:$0x1];
	p0 =	sne.s32 s2, $0x0  }
0x130: {  	s3 =	rddreg [dreg:$0x2];
	[bflag:$0x3] =	sbarrier.arrive $0xFFFF;
	s2 =	simm.s32 @!p0 $0x1C02  }
0x131: {  	[timem:s3], [sflag:s2] =	dma.local @!p0 [hbm:s0], s1  }
0x132: {  	s0 =	simm.s32 @!p0 $0x2  }
0x133: {  	_ =	swait.ge @!p0 [sflag:s0], s1  }
0x134: {  	s1 =	ssub.s32 @!p0 $0x0, s1;
	[sflag:s0] =	ssyncset.done @!p0 $0x0  }
0x135: {  	[sflag:s0] =	ssyncadd.s32 @!p0 s1  }
0x136: {  	[bflag:$0x3] =	sbarrier.arrive $0xFFFF  }
0x137: {  	_ =	shalt  }

</sc_bundles>
